<compile_context>
chip_gen: v7x
topology: tpu7x:2x2x1
jax: 0.10.2.dev20260603
libtpu: 0.0.44.dev20260713+nightly
codegen_flags: <defaults>
</compile_context>

<pallas_src>
import dataclasses

import jax
import jax.numpy as jnp
from jax import lax
from jax.experimental import pallas as pl
from jax.experimental.pallas import tpu as pltpu
from jax.experimental.pallas import tpu_sc as plsc

_SC_PARAMS = pltpu.CompilerParams()
if "needs_layout_passes" in pltpu.CompilerParams.__dataclass_fields__:
    _SC_PARAMS = dataclasses.replace(_SC_PARAMS, needs_layout_passes=False)

_N = 10000
_E = 320000
_D = 128
_H = 128
_G = 64

_NC = 2
_NS = 16
_NW = _NC * _NS
_CHUNK = 128
_NP = 81
_NPS = 88
_C0 = 80
_C1 = 80
_AGGR = _NW * (_C0 + _C1) // 2
_DEPTH = 8
_EPT = _CHUNK * _NP
_EPAD = _EPT * _NW
_NR = 10112
_RPT = _NR // _NS

_BLK = 400
_NBLK = _N // _BLK



def _deg_body(dst_hbm, ones_hbm, out_hbm, didx, onesv, zb, sh, sem):
    cid = lax.axis_index("c")
    sid = lax.axis_index("s")
    wid = cid * _NS + sid

    @pl.loop(0, 16)
    def _(r):
        @pl.loop(0, 8)
        def _(c):
            zb[r, pl.ds(c * 16, 16)] = jnp.zeros((16,), jnp.float32)

    @pl.loop(0, _RPT // 16)
    def _(t):
        pltpu.sync_copy(zb, sh.at[pl.ds(sid * _RPT + t * 16, 16)])

    pltpu.sync_copy(zb.at[pl.ds(0, _RPT % 16)],
                    sh.at[pl.ds(sid * _RPT + 16 * (_RPT // 16), _RPT % 16)])

    pltpu.sync_copy(dst_hbm.at[pl.ds(wid * _NPS, _NPS)], didx)
    pltpu.sync_copy(ones_hbm, onesv)
    plsc.subcore_barrier()

    @pl.loop(0, _DEPTH)
    def _(c):
        pltpu.async_copy(onesv, sh.at[didx.at[c]], sem, add=True)

    @pl.loop(0, _NP - _DEPTH)
    def _(c):
        pltpu.make_async_copy(onesv, sh.at[didx.at[c]], sem).wait()
        pltpu.async_copy(onesv, sh.at[didx.at[c + _DEPTH]], sem, add=True)

    @pl.loop(0, _DEPTH)
    def _(c):
        pltpu.make_async_copy(onesv, sh.at[didx.at[c]], sem).wait()

    plsc.subcore_barrier()
    pltpu.sync_copy(sh.at[pl.ds(sid * _RPT, _RPT)],
                    out_hbm.at[cid].at[pl.ds(sid * _RPT, _RPT)])


def _deg(dst2d, ones):
    mesh = plsc.VectorSubcoreMesh(core_axis_name="c", subcore_axis_name="s")
    k = pl.kernel(
        _deg_body,
        out_type=jax.ShapeDtypeStruct((_NC, _NR, _H), jnp.float32),
        mesh=mesh,
        scratch_types=[
            pltpu.VMEM((_NPS, _CHUNK), jnp.int32),
            pltpu.VMEM((_CHUNK, _H), jnp.float32),
            pltpu.VMEM((16, _H), jnp.float32),
            pltpu.VMEM_SHARED((_NR, _H), jnp.float32),
            pltpu.SemaphoreType.DMA,
        ],
        compiler_params=_SC_PARAMS,
    )
    return k(dst2d, ones)


def _agg_body(tab_hbm, src_hbm, dst_hbm, out_hbm, sbuf, dbuf, rows, zb, acc):
    cid = lax.axis_index("c")
    sid = lax.axis_index("s")

    @pl.loop(0, 16)
    def _(r):
        @pl.loop(0, 8)
        def _(c):
            zb[r, pl.ds(c * 16, 16)] = jnp.zeros((16,), jnp.float32)

    @pl.loop(0, _RPT // 16)
    def _(t):
        pltpu.sync_copy(zb, acc.at[pl.ds(sid * _RPT + t * 16, 16)])

    pltpu.sync_copy(zb.at[pl.ds(0, _RPT % 16)],
                    acc.at[pl.ds(sid * _RPT + 16 * (_RPT // 16), _RPT % 16)])

    plsc.subcore_barrier()

    base = (cid * _NS + sid) * _C0

    @pl.loop(0, _C0)
    def _(c):
        pltpu.sync_copy(src_hbm.at[pl.ds(base + c, 1)], sbuf)
        pltpu.sync_copy(dst_hbm.at[pl.ds(base + c, 1)], dbuf)
        pltpu.sync_copy(tab_hbm.at[sbuf.at[0]], rows)
        pltpu.sync_copy(rows, acc.at[dbuf.at[0]], add=True)

    plsc.subcore_barrier()
    pltpu.sync_copy(acc.at[pl.ds(sid * _RPT, _RPT)],
                    out_hbm.at[cid].at[pl.ds(sid * _RPT, _RPT)])


def _agg(tab, src2d, dst2d):
    mesh = plsc.VectorSubcoreMesh(core_axis_name="c", subcore_axis_name="s")
    k = pl.kernel(
        _agg_body,
        out_type=jax.ShapeDtypeStruct((_NC, _NR, _H), jnp.float32),
        mesh=mesh,
        scratch_types=[
            pltpu.VMEM((1, _CHUNK), jnp.int32),
            pltpu.VMEM((1, _CHUNK), jnp.int32),
            pltpu.VMEM((_CHUNK, _H), jnp.float32),
            pltpu.VMEM((16, _H), jnp.float32),
            pltpu.VMEM_SHARED((_NR, _H), jnp.float32),
        ],
        compiler_params=_SC_PARAMS,
    )
    return k(tab, src2d, dst2d)



def _head_body(degp_ref, x_ref, w_ref, hs_ref, dis_ref):
    deg = jnp.sum(degp_ref[...], axis=0)[:, :1] + 1.0
    dis = lax.rsqrt(deg)
    dis_ref[...] = dis
    hs_ref[...] = lax.dot_general(
        x_ref[...], w_ref[...], (((1,), (0,)), ((), ())),
        preferred_element_type=jnp.float32,
        precision=lax.Precision.HIGHEST) * dis


def _head(degp, x, w):
    return pl.pallas_call(
        _head_body,
        grid=(_NBLK,),
        in_specs=[pl.BlockSpec((_NC, _BLK, _H), lambda i: (0, i, 0)),
                  pl.BlockSpec((_BLK, _D), lambda i: (i, 0)),
                  pl.BlockSpec((_D, _H), lambda i: (0, 0))],
        out_specs=[pl.BlockSpec((_BLK, _H), lambda i: (i, 0)),
                   pl.BlockSpec((_BLK, 1), lambda i: (i, 0))],
        out_shape=[jax.ShapeDtypeStruct((_N, _H), jnp.float32),
                   jax.ShapeDtypeStruct((_N, 1), jnp.float32)],
    )(degp, x, w)


def _layer_body(p_ref, hs1_ref, dis_ref, b1_ref, w2_ref, o_ref):
    p = p_ref[...]
    agg = p[0] + p[1] + hs1_ref[...]
    h1 = jnp.maximum(agg * dis_ref[...] + b1_ref[...], 0.0)
    o_ref[...] = lax.dot_general(
        h1, w2_ref[...], (((1,), (0,)), ((), ())),
        preferred_element_type=jnp.float32,
        precision=lax.Precision.HIGHEST) * dis_ref[...]


def _layer(p, hs1, dis, b1, w2):
    return pl.pallas_call(
        _layer_body,
        grid=(_NBLK,),
        in_specs=[pl.BlockSpec((_NC, _BLK, _H), lambda i: (0, i, 0)),
                  pl.BlockSpec((_BLK, _H), lambda i: (i, 0)),
                  pl.BlockSpec((_BLK, 1), lambda i: (i, 0)),
                  pl.BlockSpec((1, _H), lambda i: (0, 0)),
                  pl.BlockSpec((_D, _H), lambda i: (0, 0))],
        out_specs=pl.BlockSpec((_BLK, _H), lambda i: (i, 0)),
        out_shape=jax.ShapeDtypeStruct((_N, _H), jnp.float32),
    )(p, hs1, dis, b1, w2)


def _final_body(q_ref, hs2_ref, dis_ref, b2_ref, batch_ref, gamma_ref,
                beta_ref, wm1_ref, bm1_ref, wm2_ref, bm2_ref, o_ref,
                msum, vsum, pool, cnt):
    i = pl.program_id(0)
    q = q_ref[...]
    h = (q[0] + q[1] + hs2_ref[...]) * dis_ref[...] + b2_ref[...]

    bvec = batch_ref[...].reshape(1, _BLK)
    gi = lax.broadcasted_iota(jnp.int32, (_G, _BLK), 0)
    oh = (bvec == gi).astype(jnp.float32)
    ps = lax.dot_general(oh, h, (((1,), (0,)), ((), ())),
                         preferred_element_type=jnp.float32,
                         precision=lax.Precision.HIGHEST)
    pc = jnp.sum(oh, axis=1, keepdims=True)
    ms = jnp.sum(h, axis=0, keepdims=True)
    vs = jnp.sum(h * h, axis=0, keepdims=True)

    @pl.when(i == 0)
    def _():
        msum[...] = ms
        vsum[...] = vs
        pool[...] = ps
        cnt[...] = pc

    @pl.when(i > 0)
    def _():
        msum[...] += ms
        vsum[...] += vs
        pool[...] += ps
        cnt[...] += pc

    @pl.when(i == _NBLK - 1)
    def _():
        mean = msum[...] * (1.0 / _N)
        var = vsum[...] * (1.0 / _N) - mean * mean
        scale = gamma_ref[...] * lax.rsqrt(var + 1e-5)
        pm = pool[...] / jnp.maximum(cnt[...], 1.0)
        pb = (pm - mean) * scale + beta_ref[...]
        z = jnp.maximum(
            lax.dot_general(pb, wm1_ref[...], (((1,), (0,)), ((), ())),
                            preferred_element_type=jnp.float32,
                            precision=lax.Precision.HIGHEST) + bm1_ref[...],
            0.0)
        o_ref[...] = lax.dot_general(
            z, wm2_ref[...], (((1,), (0,)), ((), ())),
            preferred_element_type=jnp.float32,
            precision=lax.Precision.HIGHEST) + bm2_ref[...]


def _final(q, hs2, dis, b2, batch3d, gamma, beta, wm1, bm1, wm2, bm2):
    return pl.pallas_call(
        _final_body,
        grid=(_NBLK,),
        in_specs=[pl.BlockSpec((_NC, _BLK, _H), lambda i: (0, i, 0)),
                  pl.BlockSpec((_BLK, _H), lambda i: (i, 0)),
                  pl.BlockSpec((_BLK, 1), lambda i: (i, 0)),
                  pl.BlockSpec((1, _H), lambda i: (0, 0)),
                  pl.BlockSpec((1, 1, _BLK), lambda i: (i, 0, 0)),
                  pl.BlockSpec((1, _H), lambda i: (0, 0)),
                  pl.BlockSpec((1, _H), lambda i: (0, 0)),
                  pl.BlockSpec((_H, _H), lambda i: (0, 0)),
                  pl.BlockSpec((1, _H), lambda i: (0, 0)),
                  pl.BlockSpec((_H, 1), lambda i: (0, 0)),
                  pl.BlockSpec((1, 1), lambda i: (0, 0))],
        out_specs=pl.BlockSpec((_G, 1), lambda i: (0, 0)),
        out_shape=jax.ShapeDtypeStruct((_G, 1), jnp.float32),
        scratch_shapes=[pltpu.VMEM((1, _H), jnp.float32),
                        pltpu.VMEM((1, _H), jnp.float32),
                        pltpu.VMEM((_G, _H), jnp.float32),
                        pltpu.VMEM((_G, 1), jnp.float32)],
    )(q, hs2, dis, b2, batch3d, gamma, beta, wm1, bm1, wm2, bm2)



def kernel(x, edge_index, batch, W1, b1, W2, b2, gamma, beta, Wm1, bm1,
           Wm2, bm2):
    src = edge_index[0]
    dst = edge_index[1]
    pad = _EPAD - _E
    src3 = jnp.concatenate(
        [src, jnp.zeros((pad, ), jnp.int32)]).reshape(_NW, _NP, _CHUNK)
    dst3 = jnp.concatenate(
        [dst, jnp.full((pad,), _N, jnp.int32)]).reshape(_NW, _NP, _CHUNK)
    fill = jnp.zeros((_NW, _NPS - _NP, _CHUNK), jnp.int32)
    dst2d_deg = jnp.concatenate([dst3, fill + _N],
                                axis=1).reshape(_NW * _NPS, _CHUNK)

    apad = _AGGR * _CHUNK - _E
    src2d = jnp.concatenate(
        [src, jnp.zeros((apad,), jnp.int32)]).reshape(_AGGR, _CHUNK)
    dst2d = jnp.concatenate(
        [dst, jnp.full((apad,), _N, jnp.int32)]).reshape(_AGGR, _CHUNK)

    degp = _deg(dst2d_deg, jnp.ones((_CHUNK, _H), jnp.float32))
    hs1, dis = _head(degp, x, W1)

    p = _agg(hs1, src2d, dst2d)
    hs2 = _layer(p, hs1, dis, b1.reshape(1, _H), W2)
    q = _agg(hs2, src2d, dst2d)

    return _final(q, hs2, dis, b2.reshape(1, _H),
                  batch.reshape(_NBLK, 1, _BLK), gamma.reshape(1, _H),
                  beta.reshape(1, _H), Wm1, bm1.reshape(1, _H), Wm2,
                  bm2.reshape(1, 1))

# --- scband reference (transcript-rebuilt; emitter-appended) ---
"""Pipeline reference for scband-energy-prediction-gcn-25572235280413 (READ-ONLY COPY).

The authoritative reference and input builder live on the scoring server;
editing this copy changes nothing except your own understanding.
"""

import jax, jax.numpy as jnp
import numpy as np

N = 10000
E = 320000
D = 128
H = 128
G = 64


def setup_inputs(seed: int = 0) -> dict:
    key = jax.random.key(seed)
    ks = jax.random.split(key, 12)
    x = jax.random.normal(ks[0], (N, D), dtype=jnp.float32)
    edge_index = jax.random.randint(ks[1], (2, E), 0, N, dtype=jnp.int32)
    batch = jnp.sort(jax.random.randint(ks[2], (N,), 0, G, dtype=jnp.int32))
    s1 = (2.0 / (D + H)) ** 0.5
    s2 = (2.0 / (H + H)) ** 0.5
    s3 = (2.0 / (H + 1)) ** 0.5
    W1 = jax.random.normal(ks[3], (D, H), dtype=jnp.float32) * s1
    b1 = jnp.zeros((H,), dtype=jnp.float32)
    W2 = jax.random.normal(ks[4], (H, H), dtype=jnp.float32) * s2
    b2 = jnp.zeros((H,), dtype=jnp.float32)
    gamma = jnp.ones((H,), dtype=jnp.float32)
    beta = jnp.zeros((H,), dtype=jnp.float32)
    Wm1 = jax.random.normal(ks[5], (H, H), dtype=jnp.float32) * s2
    bm1 = jnp.zeros((H,), dtype=jnp.float32)
    Wm2 = jax.random.normal(ks[6], (H, 1), dtype=jnp.float32) * s3
    bm2 = jnp.zeros((1,), dtype=jnp.float32)
    return {"x": x, "edge_index": edge_index, "batch": batch,
            "W1": W1, "b1": b1, "W2": W2, "b2": b2,
            "gamma": gamma, "beta": beta,
            "Wm1": Wm1, "bm1": bm1, "Wm2": Wm2, "bm2": bm2}


def _gcn_conv(x, ei, W, b):
    # PyG GCNConv: add self-loops, symmetric normalization, x @ W then aggregate
    h = x @ W
    src = ei[0]
    dst = ei[1]
    ones = jnp.ones((ei.shape[1],), dtype=x.dtype)
    deg = jax.ops.segment_sum(ones, dst, num_segments=N)
    dis = jnp.where(deg > 0, jax.lax.rsqrt(jnp.maximum(deg, 1e-12)), 0.0)
    norm = dis[src] * dis[dst]
    msgs = h[src] * norm[:, None]
    out = jax.ops.segment_sum(msgs, dst, num_segments=N)
    return out + b


def reference(x, edge_index, batch, W1, b1, W2, b2, gamma, beta, Wm1, bm1, Wm2, bm2):
    ar = jnp.arange(N, dtype=edge_index.dtype)
    ei = jnp.concatenate([edge_index, jnp.stack([ar, ar])], axis=1)
    h = _gcn_conv(x, ei, W1, b1)
    h = jax.nn.relu(h)
    h = _gcn_conv(h, ei, W2, b2)
    # BatchNorm1d in training mode: biased batch statistics over node dim
    mean = jnp.mean(h, axis=0)
    var = jnp.mean((h - mean) ** 2, axis=0)
    h = (h - mean) * jax.lax.rsqrt(var + 1e-5) * gamma + beta
    # global_mean_pool over graphs
    sums = jax.ops.segment_sum(h, batch, num_segments=G)
    counts = jax.ops.segment_sum(jnp.ones((N,), dtype=h.dtype), batch, num_segments=G)
    pooled = sums / jnp.maximum(counts, 1.0)[:, None]
    z = jax.nn.relu(pooled @ Wm1 + bm1)
    energy_pred = z @ Wm2 + bm2
    return energy_pred

if __name__ == "__main__":
    import jax
    _d = setup_inputs()
    print(jax.jit(kernel)(*tuple(_d.values())))

</pallas_src>

<mosaic_0001>
#map = affine_map<(d0, d1) -> (0, 0)>
#map1 = affine_map<(d0, d1) -> (0, 0, 0)>
module attributes {stable_mosaic.version = 14 : i64} {
  func.func @_agg_body(%arg0: i32, %arg1: i32, %arg2: memref<10000x128xf32, #tpu.memory_space<hbm>>, %arg3: memref<2560x128xi32, #tpu.memory_space<hbm>>, %arg4: memref<2560x128xi32, #tpu.memory_space<hbm>>, %arg5: memref<2x10112x128xf32, #tpu.memory_space<hbm>>, %arg6: memref<1x128xi32, #tpu.memory_space<vmem>>, %arg7: memref<1x128xi32, #tpu.memory_space<vmem>>, %arg8: memref<128x128xf32, #tpu.memory_space<vmem>>, %arg9: memref<16x128xf32, #tpu.memory_space<vmem>>, %arg10: memref<10112x128xf32, #tpu.memory_space<vmem_shared>>) attributes {dimension_semantics = [#tpu.dimension_semantics<core_parallel>, #tpu.dimension_semantics<subcore_parallel>], iteration_bounds = array<i64: 2, 16>, scalar_prefetch = 0 : i64, scratch_operands = 5 : i64, tpu.core_type = #tpu.core_type<sc_vector_subcore>, window_params = [{transform_indices = #map}, {transform_indices = #map}, {transform_indices = #map}, {transform_indices = #map1}]} {
    %scan3A = arith.constant 0 : i32
    %scan3A_0 = arith.constant 16 : i32
    %scan3A_1 = arith.addi %scan3A, %scan3A_0 : i32
    %scan3A_2 = arith.constant 1 : i32
    scf.for %scan3A_26 = %scan3A to %scan3A_1 step %scan3A_2  : i32 {
      %mul3A_27 = arith.constant 1 : i32
      %mul3A_28 = arith.muli %scan3A_26, %mul3A_27 : i32
      %add3A_29 = arith.constant 0 : i32
      %add3A_30 = arith.addi %add3A_29, %mul3A_28 : i32
      %scan3A_31 = arith.constant 0 : i32
      %scan3A_32 = arith.constant 8 : i32
      %scan3A_33 = arith.addi %scan3A_31, %scan3A_32 : i32
      %scan3A_34 = arith.constant 1 : i32
      scf.for %scan3A_36 = %scan3A_31 to %scan3A_33 step %scan3A_34  : i32 {
        %mul3A_37 = arith.constant 1 : i32
        %mul3A_38 = arith.muli %scan3A_36, %mul3A_37 : i32
        %add3A_39 = arith.constant 0 : i32
        %add3A_40 = arith.addi %add3A_39, %mul3A_38 : i32
        %broadcast_in_dim3A = arith.constant 0.000000e+00 : f32
        %broadcast_in_dim3A_41 = vector.broadcast %broadcast_in_dim3A : f32 to vector<16xf32>
        %mul3A_42 = arith.constant 16 : i32
        %mul3A_43 = arith.muli %add3A_40, %mul3A_42 : i32
        %swap3A = arith.index_cast %add3A_30 : i32 to index
        %swap3A_44 = arith.index_cast %mul3A_43 : i32 to index
        %swap3A_45 = tpu.vector_load %arg9[%swap3A, %swap3A_44] {strides = array<i32>} : memref<16x128xf32, #tpu.memory_space<vmem>>, vector<16xf32>,
        tpu.vector_store %arg9[%swap3A, %swap3A_44], %broadcast_in_dim3A_41 {strides = array<i32>} : memref<16x128xf32, #tpu.memory_space<vmem>>, vector<16xf32>,
      }
      %scan3A_35 = arith.constant 8 : i32
    }
    %scan3A_3 = arith.constant 16 : i32
    %scan3A_4 = arith.constant 0 : i32
    %scan3A_5 = arith.constant 39 : i32
    %scan3A_6 = arith.addi %scan3A_4, %scan3A_5 : i32
    %scan3A_7 = arith.constant 1 : i32
    scf.for %scan3A_26 = %scan3A_4 to %scan3A_6 step %scan3A_7  : i32 {
      %mul3A_27 = arith.constant 1 : i32
      %mul3A_28 = arith.muli %scan3A_26, %mul3A_27 : i32
      %add3A_29 = arith.constant 0 : i32
      %add3A_30 = arith.addi %add3A_29, %mul3A_28 : i32
      %mul3A_31 = arith.constant 632 : i32
      %mul3A_32 = arith.muli %arg1, %mul3A_31 : i32
      %mul3A_33 = arith.constant 16 : i32
      %mul3A_34 = arith.muli %add3A_30, %mul3A_33 : i32
      %add3A_35 = arith.addi %mul3A_32, %mul3A_34 : i32
      "tpu.region"() ({
        %run_scoped3A = tpu.sem_alloc : memref<!tpu.dma_semaphore, #tpu.memory_space<semaphore_mem>>
        %dma_start3A = arith.constant 0 : i32
        %dma_start3A_36 = tpu.memref_slice %arg10[%add3A_35, %dma_start3A] : memref<10112x128xf32, #tpu.memory_space<vmem_shared>> -> memref<16x128xf32, #tpu.memory_space<vmem_shared>>
        %dma_start3A_37 = arith.constant 0 : i32
        %dma_start3A_38 = tpu.memref_slice %arg10[%add3A_35, %dma_start3A_37] : memref<10112x128xf32, #tpu.memory_space<vmem_shared>> -> memref<16x128xf32, #tpu.memory_space<vmem_shared>>
        tpu.enqueue_dma source(%arg9 : memref<16x128xf32, #tpu.memory_space<vmem>>) target(%dma_start3A_38 : memref<16x128xf32, #tpu.memory_space<vmem_shared>>) target_semaphore(%run_scoped3A : memref<!tpu.dma_semaphore, #tpu.memory_space<semaphore_mem>>)
        %dma_wait3A = arith.constant 0 : i32
        %dma_wait3A_39 = tpu.memref_slice %arg10[%add3A_35, %dma_wait3A] : memref<10112x128xf32, #tpu.memory_space<vmem_shared>> -> memref<16x128xf32, #tpu.memory_space<vmem_shared>>
        %dma_wait3A_40 = arith.constant 0 : i32
        %dma_wait3A_41 = tpu.memref_slice %arg10[%add3A_35, %dma_wait3A_40] : memref<10112x128xf32, #tpu.memory_space<vmem_shared>> -> memref<16x128xf32, #tpu.memory_space<vmem_shared>>
        tpu.wait_dma2 semaphore(%run_scoped3A : memref<!tpu.dma_semaphore, #tpu.memory_space<semaphore_mem>>) src(%arg9 : memref<16x128xf32, #tpu.memory_space<vmem>>) dst(%dma_wait3A_41 : memref<16x128xf32, #tpu.memory_space<vmem_shared>>)
        tpu.yield
      }) : () -> ()
    }
    %scan3A_8 = arith.constant 39 : i32
    %mul3A = arith.constant 632 : i32
    %mul3A_9 = arith.muli %arg1, %mul3A : i32
    %add3A = arith.constant 624 : i32
    %add3A_10 = arith.addi %mul3A_9, %add3A : i32
    "tpu.region"() ({
      %run_scoped3A = tpu.sem_alloc : memref<!tpu.dma_semaphore, #tpu.memory_space<semaphore_mem>>
      %dma_start3A = arith.constant 0 : i32
      %dma_start3A_26 = arith.constant 0 : i32
      %dma_start3A_27 = tpu.memref_slice %arg9[%dma_start3A, %dma_start3A_26] : memref<16x128xf32, #tpu.memory_space<vmem>> -> memref<8x128xf32, #tpu.memory_space<vmem>>
      %dma_start3A_28 = arith.constant 0 : i32
      %dma_start3A_29 = tpu.memref_slice %arg10[%add3A_10, %dma_start3A_28] : memref<10112x128xf32, #tpu.memory_space<vmem_shared>> -> memref<8x128xf32, #tpu.memory_space<vmem_shared>>
      %dma_start3A_30 = arith.constant 0 : i32
      %dma_start3A_31 = tpu.memref_slice %arg10[%add3A_10, %dma_start3A_30] : memref<10112x128xf32, #tpu.memory_space<vmem_shared>> -> memref<8x128xf32, #tpu.memory_space<vmem_shared>>
      %dma_start3A_32 = arith.constant 0 : i32
      %dma_start3A_33 = arith.constant 0 : i32
      %dma_start3A_34 = tpu.memref_slice %arg9[%dma_start3A_32, %dma_start3A_33] : memref<16x128xf32, #tpu.memory_space<vmem>> -> memref<8x128xf32, #tpu.memory_space<vmem>>
      tpu.enqueue_dma source(%dma_start3A_34 : memref<8x128xf32, #tpu.memory_space<vmem>>) target(%dma_start3A_31 : memref<8x128xf32, #tpu.memory_space<vmem_shared>>) target_semaphore(%run_scoped3A : memref<!tpu.dma_semaphore, #tpu.memory_space<semaphore_mem>>)
      %dma_wait3A = arith.constant 0 : i32
      %dma_wait3A_35 = arith.constant 0 : i32
      %dma_wait3A_36 = tpu.memref_slice %arg9[%dma_wait3A, %dma_wait3A_35] : memref<16x128xf32, #tpu.memory_space<vmem>> -> memref<8x128xf32, #tpu.memory_space<vmem>>
      %dma_wait3A_37 = arith.constant 0 : i32
      %dma_wait3A_38 = tpu.memref_slice %arg10[%add3A_10, %dma_wait3A_37] : memref<10112x128xf32, #tpu.memory_space<vmem_shared>> -> memref<8x128xf32, #tpu.memory_space<vmem_shared>>
      %dma_wait3A_39 = arith.constant 0 : i32
      %dma_wait3A_40 = tpu.memref_slice %arg10[%add3A_10, %dma_wait3A_39] : memref<10112x128xf32, #tpu.memory_space<vmem_shared>> -> memref<8x128xf32, #tpu.memory_space<vmem_shared>>
      %dma_wait3A_41 = arith.constant 0 : i32
      %dma_wait3A_42 = arith.constant 0 : i32
      %dma_wait3A_43 = tpu.memref_slice %arg9[%dma_wait3A_41, %dma_wait3A_42] : memref<16x128xf32, #tpu.memory_space<vmem>> -> memref<8x128xf32, #tpu.memory_space<vmem>>
      tpu.wait_dma2 semaphore(%run_scoped3A : memref<!tpu.dma_semaphore, #tpu.memory_space<semaphore_mem>>) src(%dma_wait3A_43 : memref<8x128xf32, #tpu.memory_space<vmem>>) dst(%dma_wait3A_40 : memref<8x128xf32, #tpu.memory_space<vmem_shared>>)
      tpu.yield
    }) : () -> ()
    %barrier3A = arith.constant 0 : index
    tpu.barrier barrier_id(%barrier3A)
    %mul3A_11 = arith.constant 16 : i32
    %mul3A_12 = arith.muli %arg0, %mul3A_11 : i32
    %add3A_13 = arith.addi %mul3A_12, %arg1 : i32
    %mul3A_14 = arith.constant 80 : i32
    %mul3A_15 = arith.muli %add3A_13, %mul3A_14 : i32
    %scan3A_16 = arith.constant 0 : i32
    %scan3A_17 = arith.constant 80 : i32
    %scan3A_18 = arith.addi %scan3A_16, %scan3A_17 : i32
    %scan3A_19 = arith.constant 1 : i32
    scf.for %scan3A_26 = %scan3A_16 to %scan3A_18 step %scan3A_19  : i32 {
      %mul3A_27 = arith.constant 1 : i32
      %mul3A_28 = arith.muli %scan3A_26, %mul3A_27 : i32
      %add3A_29 = arith.constant 0 : i32
      %add3A_30 = arith.addi %add3A_29, %mul3A_28 : i32
      %add3A_31 = arith.addi %mul3A_15, %add3A_30 : i32
      "tpu.region"() ({
        %run_scoped3A_34 = tpu.sem_alloc : memref<!tpu.dma_semaphore, #tpu.memory_space<semaphore_mem>>
        %dma_start3A = arith.constant 0 : i32
        %dma_start3A_35 = tpu.memref_slice %arg3[%add3A_31, %dma_start3A] : memref<2560x128xi32, #tpu.memory_space<hbm>> -> memref<1x128xi32, #tpu.memory_space<hbm>>
        %dma_start3A_36 = arith.constant 0 : i32
        %dma_start3A_37 = tpu.memref_slice %arg3[%add3A_31, %dma_start3A_36] : memref<2560x128xi32, #tpu.memory_space<hbm>> -> memref<1x128xi32, #tpu.memory_space<hbm>>
        tpu.enqueue_dma source(%dma_start3A_37 : memref<1x128xi32, #tpu.memory_space<hbm>>) target(%arg6 : memref<1x128xi32, #tpu.memory_space<vmem>>) target_semaphore(%run_scoped3A_34 : memref<!tpu.dma_semaphore, #tpu.memory_space<semaphore_mem>>)
        %dma_wait3A = arith.constant 0 : i32
        %dma_wait3A_38 = tpu.memref_slice %arg3[%add3A_31, %dma_wait3A] : memref<2560x128xi32, #tpu.memory_space<hbm>> -> memref<1x128xi32, #tpu.memory_space<hbm>>
        %dma_wait3A_39 = arith.constant 0 : i32
        %dma_wait3A_40 = tpu.memref_slice %arg3[%add3A_31, %dma_wait3A_39] : memref<2560x128xi32, #tpu.memory_space<hbm>> -> memref<1x128xi32, #tpu.memory_space<hbm>>
        tpu.wait_dma2 semaphore(%run_scoped3A_34 : memref<!tpu.dma_semaphore, #tpu.memory_space<semaphore_mem>>) src(%dma_wait3A_40 : memref<1x128xi32, #tpu.memory_space<hbm>>) dst(%arg6 : memref<1x128xi32, #tpu.memory_space<vmem>>)
        tpu.yield
      }) : () -> ()
      %add3A_32 = arith.addi %mul3A_15, %add3A_30 : i32
      "tpu.region"() ({
        %run_scoped3A_34 = tpu.sem_alloc : memref<!tpu.dma_semaphore, #tpu.memory_space<semaphore_mem>>
        %dma_start3A = arith.constant 0 : i32
        %dma_start3A_35 = tpu.memref_slice %arg4[%add3A_32, %dma_start3A] : memref<2560x128xi32, #tpu.memory_space<hbm>> -> memref<1x128xi32, #tpu.memory_space<hbm>>
        %dma_start3A_36 = arith.constant 0 : i32
        %dma_start3A_37 = tpu.memref_slice %arg4[%add3A_32, %dma_start3A_36] : memref<2560x128xi32, #tpu.memory_space<hbm>> -> memref<1x128xi32, #tpu.memory_space<hbm>>
        tpu.enqueue_dma source(%dma_start3A_37 : memref<1x128xi32, #tpu.memory_space<hbm>>) target(%arg7 : memref<1x128xi32, #tpu.memory_space<vmem>>) target_semaphore(%run_scoped3A_34 : memref<!tpu.dma_semaphore, #tpu.memory_space<semaphore_mem>>)
        %dma_wait3A = arith.constant 0 : i32
        %dma_wait3A_38 = tpu.memref_slice %arg4[%add3A_32, %dma_wait3A] : memref<2560x128xi32, #tpu.memory_space<hbm>> -> memref<1x128xi32, #tpu.memory_space<hbm>>
        %dma_wait3A_39 = arith.constant 0 : i32
        %dma_wait3A_40 = tpu.memref_slice %arg4[%add3A_32, %dma_wait3A_39] : memref<2560x128xi32, #tpu.memory_space<hbm>> -> memref<1x128xi32, #tpu.memory_space<hbm>>
        tpu.wait_dma2 semaphore(%run_scoped3A_34 : memref<!tpu.dma_semaphore, #tpu.memory_space<semaphore_mem>>) src(%dma_wait3A_40 : memref<1x128xi32, #tpu.memory_space<hbm>>) dst(%arg7 : memref<1x128xi32, #tpu.memory_space<vmem>>)
        tpu.yield
      }) : () -> ()
      %run_scoped3A = arith.constant 0 : i32
      "tpu.region"() ({
        %run_scoped3A_34 = tpu.sem_alloc : memref<!tpu.dma_semaphore, #tpu.memory_space<semaphore_mem>>
        %dma_start3A = arith.constant 0 : i32
        %dma_start3A_35 = tpu.memref_slice %arg6[%run_scoped3A, %dma_start3A] : memref<1x128xi32, #tpu.memory_space<vmem>> -> memref<1x128xi32, #tpu.memory_space<vmem>>
        %dma_start3A_36 = tpu.memref_squeeze %dma_start3A_35 : memref<1x128xi32, #tpu.memory_space<vmem>> -> memref<128xi32, #tpu.memory_space<vmem>>
        %dma_start3A_37 = arith.constant 0 : i32
        %dma_start3A_38 = arith.constant 0 : i32
        %dma_start3A_39 = tpu.memref_slice %arg2[%dma_start3A_37, %dma_start3A_38] : memref<10000x128xf32, #tpu.memory_space<hbm>> -> memref<10000x128xf32, #tpu.memory_space<hbm>>
        tpu.enqueue_indirect_dma source(%dma_start3A_39 : memref<10000x128xf32, #tpu.memory_space<hbm>>) target(%arg8 : memref<128x128xf32, #tpu.memory_space<vmem>>) offsets(%dma_start3A_36 : memref<128xi32, #tpu.memory_space<vmem>>) semaphore(%run_scoped3A_34 : memref<!tpu.dma_semaphore, #tpu.memory_space<semaphore_mem>>)
        %dma_wait3A = arith.constant 0 : i32
        %dma_wait3A_40 = tpu.memref_slice %arg6[%run_scoped3A, %dma_wait3A] : memref<1x128xi32, #tpu.memory_space<vmem>> -> memref<1x128xi32, #tpu.memory_space<vmem>>
        %dma_wait3A_41 = tpu.memref_squeeze %dma_wait3A_40 : memref<1x128xi32, #tpu.memory_space<vmem>> -> memref<128xi32, #tpu.memory_space<vmem>>
        %dma_wait3A_42 = arith.constant 0 : i32
        %dma_wait3A_43 = arith.constant 0 : i32
        %dma_wait3A_44 = tpu.memref_slice %arg2[%dma_wait3A_42, %dma_wait3A_43] : memref<10000x128xf32, #tpu.memory_space<hbm>> -> memref<10000x128xf32, #tpu.memory_space<hbm>>
        tpu.wait_indirect_dma semaphore(%run_scoped3A_34 : memref<!tpu.dma_semaphore, #tpu.memory_space<semaphore_mem>>) src(%dma_wait3A_44 : memref<10000x128xf32, #tpu.memory_space<hbm>>) dst(%arg8 : memref<128x128xf32, #tpu.memory_space<vmem>>)
        tpu.yield
      }) : () -> ()
      %run_scoped3A_33 = arith.constant 0 : i32
      "tpu.region"() ({
        %run_scoped3A_34 = tpu.sem_alloc : memref<!tpu.dma_semaphore, #tpu.memory_space<semaphore_mem>>
        %dma_start3A = arith.constant 0 : i32
        %dma_start3A_35 = tpu.memref_slice %arg7[%run_scoped3A_33, %dma_start3A] : memref<1x128xi32, #tpu.memory_space<vmem>> -> memref<1x128xi32, #tpu.memory_space<vmem>>
        %dma_start3A_36 = tpu.memref_squeeze %dma_start3A_35 : memref<1x128xi32, #tpu.memory_space<vmem>> -> memref<128xi32, #tpu.memory_space<vmem>>
        %dma_start3A_37 = arith.constant 0 : i32
        %dma_start3A_38 = arith.constant 0 : i32
        %dma_start3A_39 = tpu.memref_slice %arg10[%dma_start3A_37, %dma_start3A_38] : memref<10112x128xf32, #tpu.memory_space<vmem_shared>> -> memref<10112x128xf32, #tpu.memory_space<vmem_shared>>
        tpu.enqueue_indirect_dma source(%arg8 : memref<128x128xf32, #tpu.memory_space<vmem>>) target(%dma_start3A_39 : memref<10112x128xf32, #tpu.memory_space<vmem_shared>>) offsets(%dma_start3A_36 : memref<128xi32, #tpu.memory_space<vmem>>) semaphore(%run_scoped3A_34 : memref<!tpu.dma_semaphore, #tpu.memory_space<semaphore_mem>>) {add = true}
        %dma_wait3A = arith.constant 0 : i32
        %dma_wait3A_40 = tpu.memref_slice %arg7[%run_scoped3A_33, %dma_wait3A] : memref<1x128xi32, #tpu.memory_space<vmem>> -> memref<1x128xi32, #tpu.memory_space<vmem>>
        %dma_wait3A_41 = tpu.memref_squeeze %dma_wait3A_40 : memref<1x128xi32, #tpu.memory_space<vmem>> -> memref<128xi32, #tpu.memory_space<vmem>>
        %dma_wait3A_42 = arith.constant 0 : i32
        %dma_wait3A_43 = arith.constant 0 : i32
        %dma_wait3A_44 = tpu.memref_slice %arg10[%dma_wait3A_42, %dma_wait3A_43] : memref<10112x128xf32, #tpu.memory_space<vmem_shared>> -> memref<10112x128xf32, #tpu.memory_space<vmem_shared>>
        tpu.wait_indirect_dma semaphore(%run_scoped3A_34 : memref<!tpu.dma_semaphore, #tpu.memory_space<semaphore_mem>>) src(%arg8 : memref<128x128xf32, #tpu.memory_space<vmem>>) dst(%dma_wait3A_44 : memref<10112x128xf32, #tpu.memory_space<vmem_shared>>)
        tpu.yield
      }) : () -> ()
    }
    %scan3A_20 = arith.constant 80 : i32
    %barrier3A_21 = arith.constant 0 : index
    tpu.barrier barrier_id(%barrier3A_21)
    %mul3A_22 = arith.constant 632 : i32
    %mul3A_23 = arith.muli %arg1, %mul3A_22 : i32
    %mul3A_24 = arith.constant 632 : i32
    %mul3A_25 = arith.muli %arg1, %mul3A_24 : i32
    "tpu.region"() ({
      %run_scoped3A = tpu.sem_alloc : memref<!tpu.dma_semaphore, #tpu.memory_space<semaphore_mem>>
      %dma_start3A = arith.constant 0 : i32
      %dma_start3A_26 = arith.constant 0 : i32
      %dma_start3A_27 = tpu.memref_slice %arg5[%arg0, %dma_start3A, %dma_start3A_26] : memref<2x10112x128xf32, #tpu.memory_space<hbm>> -> memref<1x10112x128xf32, #tpu.memory_space<hbm>>
      %dma_start3A_28 = tpu.memref_squeeze %dma_start3A_27 : memref<1x10112x128xf32, #tpu.memory_space<hbm>> -> memref<10112x128xf32, #tpu.memory_space<hbm>>
      %dma_start3A_29 = arith.constant 0 : i32
      %dma_start3A_30 = tpu.memref_slice %dma_start3A_28[%mul3A_25, %dma_start3A_29] : memref<10112x128xf32, #tpu.memory_space<hbm>> -> memref<632x128xf32, #tpu.memory_space<hbm>>
      %dma_start3A_31 = arith.constant 0 : i32
      %dma_start3A_32 = tpu.memref_slice %arg10[%mul3A_23, %dma_start3A_31] : memref<10112x128xf32, #tpu.memory_space<vmem_shared>> -> memref<632x128xf32, #tpu.memory_space<vmem_shared>>
      tpu.enqueue_dma source(%dma_start3A_32 : memref<632x128xf32, #tpu.memory_space<vmem_shared>>) target(%dma_start3A_30 : memref<632x128xf32, #tpu.memory_space<hbm>>) target_semaphore(%run_scoped3A : memref<!tpu.dma_semaphore, #tpu.memory_space<semaphore_mem>>)
      %dma_wait3A = arith.constant 0 : i32
      %dma_wait3A_33 = arith.constant 0 : i32
      %dma_wait3A_34 = tpu.memref_slice %arg5[%arg0, %dma_wait3A, %dma_wait3A_33] : memref<2x10112x128xf32, #tpu.memory_space<hbm>> -> memref<1x10112x128xf32, #tpu.memory_space<hbm>>
      %dma_wait3A_35 = tpu.memref_squeeze %dma_wait3A_34 : memref<1x10112x128xf32, #tpu.memory_space<hbm>> -> memref<10112x128xf32, #tpu.memory_space<hbm>>
      %dma_wait3A_36 = arith.constant 0 : i32
      %dma_wait3A_37 = tpu.memref_slice %dma_wait3A_35[%mul3A_25, %dma_wait3A_36] : memref<10112x128xf32, #tpu.memory_space<hbm>> -> memref<632x128xf32, #tpu.memory_space<hbm>>
      %dma_wait3A_38 = arith.constant 0 : i32
      %dma_wait3A_39 = tpu.memref_slice %arg10[%mul3A_23, %dma_wait3A_38] : memref<10112x128xf32, #tpu.memory_space<vmem_shared>> -> memref<632x128xf32, #tpu.memory_space<vmem_shared>>
      tpu.wait_dma2 semaphore(%run_scoped3A : memref<!tpu.dma_semaphore, #tpu.memory_space<semaphore_mem>>) src(%dma_wait3A_39 : memref<632x128xf32, #tpu.memory_space<vmem_shared>>) dst(%dma_wait3A_37 : memref<632x128xf32, #tpu.memory_space<hbm>>)
      tpu.yield
    }) : () -> ()
    return
  }
}

#map = affine_map<(d0, d1) -> (0, 0)>
#map1 = affine_map<(d0, d1) -> (0, 0, 0)>
module attributes {stable_mosaic.version = 14 : i64} {
  func.func @_deg_body(%arg0: i32, %arg1: i32, %arg2: memref<2816x128xi32, #tpu.memory_space<hbm>>, %arg3: memref<128x128xf32, #tpu.memory_space<hbm>>, %arg4: memref<2x10112x128xf32, #tpu.memory_space<hbm>>, %arg5: memref<88x128xi32, #tpu.memory_space<vmem>>, %arg6: memref<128x128xf32, #tpu.memory_space<vmem>>, %arg7: memref<16x128xf32, #tpu.memory_space<vmem>>, %arg8: memref<10112x128xf32, #tpu.memory_space<vmem_shared>>, %arg9: memref<!tpu.dma_semaphore, #tpu.memory_space<semaphore_mem>>) attributes {dimension_semantics = [#tpu.dimension_semantics<core_parallel>, #tpu.dimension_semantics<subcore_parallel>], iteration_bounds = array<i64: 2, 16>, scalar_prefetch = 0 : i64, scratch_operands = 5 : i64, tpu.core_type = #tpu.core_type<sc_vector_subcore>, window_params = [{transform_indices = #map}, {transform_indices = #map}, {transform_indices = #map1}]} {
    %mul3A = arith.constant 16 : i32
    %mul3A_0 = arith.muli %arg0, %mul3A : i32
    %add3A = arith.addi %mul3A_0, %arg1 : i32
    %scan3A = arith.constant 0 : i32
    %scan3A_1 = arith.constant 16 : i32
    %scan3A_2 = arith.addi %scan3A, %scan3A_1 : i32
    %scan3A_3 = arith.constant 1 : i32
    scf.for %scan3A_36 = %scan3A to %scan3A_2 step %scan3A_3  : i32 {
      %mul3A_37 = arith.constant 1 : i32
      %mul3A_38 = arith.muli %scan3A_36, %mul3A_37 : i32
      %add3A_39 = arith.constant 0 : i32
      %add3A_40 = arith.addi %add3A_39, %mul3A_38 : i32
      %scan3A_41 = arith.constant 0 : i32
      %scan3A_42 = arith.constant 8 : i32
      %scan3A_43 = arith.addi %scan3A_41, %scan3A_42 : i32
      %scan3A_44 = arith.constant 1 : i32
      scf.for %scan3A_46 = %scan3A_41 to %scan3A_43 step %scan3A_44  : i32 {
        %mul3A_47 = arith.constant 1 : i32
        %mul3A_48 = arith.muli %scan3A_46, %mul3A_47 : i32
        %add3A_49 = arith.constant 0 : i32
        %add3A_50 = arith.addi %add3A_49, %mul3A_48 : i32
        %broadcast_in_dim3A = arith.constant 0.000000e+00 : f32
        %broadcast_in_dim3A_51 = vector.broadcast %broadcast_in_dim3A : f32 to vector<16xf32>
        %mul3A_52 = arith.constant 16 : i32
        %mul3A_53 = arith.muli %add3A_50, %mul3A_52 : i32
        %swap3A = arith.index_cast %add3A_40 : i32 to index
        %swap3A_54 = arith.index_cast %mul3A_53 : i32 to index
        %swap3A_55 = tpu.vector_load %arg7[%swap3A, %swap3A_54] {strides = array<i32>} : memref<16x128xf32, #tpu.memory_space<vmem>>, vector<16xf32>,
        tpu.vector_store %arg7[%swap3A, %swap3A_54], %broadcast_in_dim3A_51 {strides = array<i32>} : memref<16x128xf32, #tpu.memory_space<vmem>>, vector<16xf32>,
      }
      %scan3A_45 = arith.constant 8 : i32
    }
    %scan3A_4 = arith.constant 16 : i32
    %scan3A_5 = arith.constant 0 : i32
    %scan3A_6 = arith.constant 39 : i32
    %scan3A_7 = arith.addi %scan3A_5, %scan3A_6 : i32
    %scan3A_8 = arith.constant 1 : i32
    scf.for %scan3A_36 = %scan3A_5 to %scan3A_7 step %scan3A_8  : i32 {
      %mul3A_37 = arith.constant 1 : i32
      %mul3A_38 = arith.muli %scan3A_36, %mul3A_37 : i32
      %add3A_39 = arith.constant 0 : i32
      %add3A_40 = arith.addi %add3A_39, %mul3A_38 : i32
      %mul3A_41 = arith.constant 632 : i32
      %mul3A_42 = arith.muli %arg1, %mul3A_41 : i32
      %mul3A_43 = arith.constant 16 : i32
      %mul3A_44 = arith.muli %add3A_40, %mul3A_43 : i32
      %add3A_45 = arith.addi %mul3A_42, %mul3A_44 : i32
      "tpu.region"() ({
        %run_scoped3A = tpu.sem_alloc : memref<!tpu.dma_semaphore, #tpu.memory_space<semaphore_mem>>
        %dma_start3A = arith.constant 0 : i32
        %dma_start3A_46 = tpu.memref_slice %arg8[%add3A_45, %dma_start3A] : memref<10112x128xf32, #tpu.memory_space<vmem_shared>> -> memref<16x128xf32, #tpu.memory_space<vmem_shared>>
        %dma_start3A_47 = arith.constant 0 : i32
        %dma_start3A_48 = tpu.memref_slice %arg8[%add3A_45, %dma_start3A_47] : memref<10112x128xf32, #tpu.memory_space<vmem_shared>> -> memref<16x128xf32, #tpu.memory_space<vmem_shared>>
        tpu.enqueue_dma source(%arg7 : memref<16x128xf32, #tpu.memory_space<vmem>>) target(%dma_start3A_48 : memref<16x128xf32, #tpu.memory_space<vmem_shared>>) target_semaphore(%run_scoped3A : memref<!tpu.dma_semaphore, #tpu.memory_space<semaphore_mem>>)
        %dma_wait3A = arith.constant 0 : i32
        %dma_wait3A_49 = tpu.memref_slice %arg8[%add3A_45, %dma_wait3A] : memref<10112x128xf32, #tpu.memory_space<vmem_shared>> -> memref<16x128xf32, #tpu.memory_space<vmem_shared>>
        %dma_wait3A_50 = arith.constant 0 : i32
        %dma_wait3A_51 = tpu.memref_slice %arg8[%add3A_45, %dma_wait3A_50] : memref<10112x128xf32, #tpu.memory_space<vmem_shared>> -> memref<16x128xf32, #tpu.memory_space<vmem_shared>>
        tpu.wait_dma2 semaphore(%run_scoped3A : memref<!tpu.dma_semaphore, #tpu.memory_space<semaphore_mem>>) src(%arg7 : memref<16x128xf32, #tpu.memory_space<vmem>>) dst(%dma_wait3A_51 : memref<16x128xf32, #tpu.memory_space<vmem_shared>>)
        tpu.yield
      }) : () -> ()
    }
    %scan3A_9 = arith.constant 39 : i32
    %mul3A_10 = arith.constant 632 : i32
    %mul3A_11 = arith.muli %arg1, %mul3A_10 : i32
    %add3A_12 = arith.constant 624 : i32
    %add3A_13 = arith.addi %mul3A_11, %add3A_12 : i32
    "tpu.region"() ({
      %run_scoped3A = tpu.sem_alloc : memref<!tpu.dma_semaphore, #tpu.memory_space<semaphore_mem>>
      %dma_start3A = arith.constant 0 : i32
      %dma_start3A_36 = arith.constant 0 : i32
      %dma_start3A_37 = tpu.memref_slice %arg7[%dma_start3A, %dma_start3A_36] : memref<16x128xf32, #tpu.memory_space<vmem>> -> memref<8x128xf32, #tpu.memory_space<vmem>>
      %dma_start3A_38 = arith.constant 0 : i32
      %dma_start3A_39 = tpu.memref_slice %arg8[%add3A_13, %dma_start3A_38] : memref<10112x128xf32, #tpu.memory_space<vmem_shared>> -> memref<8x128xf32, #tpu.memory_space<vmem_shared>>
      %dma_start3A_40 = arith.constant 0 : i32
      %dma_start3A_41 = tpu.memref_slice %arg8[%add3A_13, %dma_start3A_40] : memref<10112x128xf32, #tpu.memory_space<vmem_shared>> -> memref<8x128xf32, #tpu.memory_space<vmem_shared>>
      %dma_start3A_42 = arith.constant 0 : i32
      %dma_start3A_43 = arith.constant 0 : i32
      %dma_start3A_44 = tpu.memref_slice %arg7[%dma_start3A_42, %dma_start3A_43] : memref<16x128xf32, #tpu.memory_space<vmem>> -> memref<8x128xf32, #tpu.memory_space<vmem>>
      tpu.enqueue_dma source(%dma_start3A_44 : memref<8x128xf32, #tpu.memory_space<vmem>>) target(%dma_start3A_41 : memref<8x128xf32, #tpu.memory_space<vmem_shared>>) target_semaphore(%run_scoped3A : memref<!tpu.dma_semaphore, #tpu.memory_space<semaphore_mem>>)
      %dma_wait3A = arith.constant 0 : i32
      %dma_wait3A_45 = arith.constant 0 : i32
      %dma_wait3A_46 = tpu.memref_slice %arg7[%dma_wait3A, %dma_wait3A_45] : memref<16x128xf32, #tpu.memory_space<vmem>> -> memref<8x128xf32, #tpu.memory_space<vmem>>
      %dma_wait3A_47 = arith.constant 0 : i32
      %dma_wait3A_48 = tpu.memref_slice %arg8[%add3A_13, %dma_wait3A_47] : memref<10112x128xf32, #tpu.memory_space<vmem_shared>> -> memref<8x128xf32, #tpu.memory_space<vmem_shared>>
      %dma_wait3A_49 = arith.constant 0 : i32
      %dma_wait3A_50 = tpu.memref_slice %arg8[%add3A_13, %dma_wait3A_49] : memref<10112x128xf32, #tpu.memory_space<vmem_shared>> -> memref<8x128xf32, #tpu.memory_space<vmem_shared>>
      %dma_wait3A_51 = arith.constant 0 : i32
      %dma_wait3A_52 = arith.constant 0 : i32
      %dma_wait3A_53 = tpu.memref_slice %arg7[%dma_wait3A_51, %dma_wait3A_52] : memref<16x128xf32, #tpu.memory_space<vmem>> -> memref<8x128xf32, #tpu.memory_space<vmem>>
      tpu.wait_dma2 semaphore(%run_scoped3A : memref<!tpu.dma_semaphore, #tpu.memory_space<semaphore_mem>>) src(%dma_wait3A_53 : memref<8x128xf32, #tpu.memory_space<vmem>>) dst(%dma_wait3A_50 : memref<8x128xf32, #tpu.memory_space<vmem_shared>>)
      tpu.yield
    }) : () -> ()
    %mul3A_14 = arith.constant 88 : i32
    %mul3A_15 = arith.muli %add3A, %mul3A_14 : i32
    "tpu.region"() ({
      %run_scoped3A = tpu.sem_alloc : memref<!tpu.dma_semaphore, #tpu.memory_space<semaphore_mem>>
      %dma_start3A = arith.constant 0 : i32
      %dma_start3A_36 = tpu.memref_slice %arg2[%mul3A_15, %dma_start3A] : memref<2816x128xi32, #tpu.memory_space<hbm>> -> memref<88x128xi32, #tpu.memory_space<hbm>>
      %dma_start3A_37 = arith.constant 0 : i32
      %dma_start3A_38 = tpu.memref_slice %arg2[%mul3A_15, %dma_start3A_37] : memref<2816x128xi32, #tpu.memory_space<hbm>> -> memref<88x128xi32, #tpu.memory_space<hbm>>
      tpu.enqueue_dma source(%dma_start3A_38 : memref<88x128xi32, #tpu.memory_space<hbm>>) target(%arg5 : memref<88x128xi32, #tpu.memory_space<vmem>>) target_semaphore(%run_scoped3A : memref<!tpu.dma_semaphore, #tpu.memory_space<semaphore_mem>>)
      %dma_wait3A = arith.constant 0 : i32
      %dma_wait3A_39 = tpu.memref_slice %arg2[%mul3A_15, %dma_wait3A] : memref<2816x128xi32, #tpu.memory_space<hbm>> -> memref<88x128xi32, #tpu.memory_space<hbm>>
      %dma_wait3A_40 = arith.constant 0 : i32
      %dma_wait3A_41 = tpu.memref_slice %arg2[%mul3A_15, %dma_wait3A_40] : memref<2816x128xi32, #tpu.memory_space<hbm>> -> memref<88x128xi32, #tpu.memory_space<hbm>>
      tpu.wait_dma2 semaphore(%run_scoped3A : memref<!tpu.dma_semaphore, #tpu.memory_space<semaphore_mem>>) src(%dma_wait3A_41 : memref<88x128xi32, #tpu.memory_space<hbm>>) dst(%arg5 : memref<88x128xi32, #tpu.memory_space<vmem>>)
      tpu.yield
    }) : () -> ()
    "tpu.region"() ({
      %run_scoped3A = tpu.sem_alloc : memref<!tpu.dma_semaphore, #tpu.memory_space<semaphore_mem>>
      tpu.enqueue_dma source(%arg3 : memref<128x128xf32, #tpu.memory_space<hbm>>) target(%arg6 : memref<128x128xf32, #tpu.memory_space<vmem>>) target_semaphore(%run_scoped3A : memref<!tpu.dma_semaphore, #tpu.memory_space<semaphore_mem>>)
      tpu.wait_dma2 semaphore(%run_scoped3A : memref<!tpu.dma_semaphore, #tpu.memory_space<semaphore_mem>>) src(%arg3 : memref<128x128xf32, #tpu.memory_space<hbm>>) dst(%arg6 : memref<128x128xf32, #tpu.memory_space<vmem>>)
      tpu.yield
    }) : () -> ()
    %barrier3A = arith.constant 0 : index
    tpu.barrier barrier_id(%barrier3A)
    %scan3A_16 = arith.constant 0 : i32
    %scan3A_17 = arith.constant 8 : i32
    %scan3A_18 = arith.addi %scan3A_16, %scan3A_17 : i32
    %scan3A_19 = arith.constant 1 : i32
    scf.for %scan3A_36 = %scan3A_16 to %scan3A_18 step %scan3A_19  : i32 {
      %mul3A_37 = arith.constant 1 : i32
      %mul3A_38 = arith.muli %scan3A_36, %mul3A_37 : i32
      %add3A_39 = arith.constant 0 : i32
      %add3A_40 = arith.addi %add3A_39, %mul3A_38 : i32
      %dma_start3A = arith.constant 0 : i32
      %dma_start3A_41 = tpu.memref_slice %arg5[%add3A_40, %dma_start3A] : memref<88x128xi32, #tpu.memory_space<vmem>> -> memref<1x128xi32, #tpu.memory_space<vmem>>
      %dma_start3A_42 = tpu.memref_squeeze %dma_start3A_41 : memref<1x128xi32, #tpu.memory_space<vmem>> -> memref<128xi32, #tpu.memory_space<vmem>>
      %dma_start3A_43 = arith.constant 0 : i32
      %dma_start3A_44 = arith.constant 0 : i32
      %dma_start3A_45 = tpu.memref_slice %arg8[%dma_start3A_43, %dma_start3A_44] : memref<10112x128xf32, #tpu.memory_space<vmem_shared>> -> memref<10112x128xf32, #tpu.memory_space<vmem_shared>>
      tpu.enqueue_indirect_dma source(%arg6 : memref<128x128xf32, #tpu.memory_space<vmem>>) target(%dma_start3A_45 : memref<10112x128xf32, #tpu.memory_space<vmem_shared>>) offsets(%dma_start3A_42 : memref<128xi32, #tpu.memory_space<vmem>>) semaphore(%arg9 : memref<!tpu.dma_semaphore, #tpu.memory_space<semaphore_mem>>) {add = true}
    }
    %scan3A_20 = arith.constant 8 : i32
    %scan3A_21 = arith.constant 0 : i32
    %scan3A_22 = arith.constant 73 : i32
    %scan3A_23 = arith.addi %scan3A_21, %scan3A_22 : i32
    %scan3A_24 = arith.constant 1 : i32
    scf.for %scan3A_36 = %scan3A_21 to %scan3A_23 step %scan3A_24  : i32 {
      %mul3A_37 = arith.constant 1 : i32
      %mul3A_38 = arith.muli %scan3A_36, %mul3A_37 : i32
      %add3A_39 = arith.constant 0 : i32
      %add3A_40 = arith.addi %add3A_39, %mul3A_38 : i32
      %dma_wait3A = arith.constant 0 : i32
      %dma_wait3A_41 = tpu.memref_slice %arg5[%add3A_40, %dma_wait3A] : memref<88x128xi32, #tpu.memory_space<vmem>> -> memref<1x128xi32, #tpu.memory_space<vmem>>
      %dma_wait3A_42 = tpu.memref_squeeze %dma_wait3A_41 : memref<1x128xi32, #tpu.memory_space<vmem>> -> memref<128xi32, #tpu.memory_space<vmem>>
      %dma_wait3A_43 = arith.constant 0 : i32
      %dma_wait3A_44 = arith.constant 0 : i32
      %dma_wait3A_45 = tpu.memref_slice %arg8[%dma_wait3A_43, %dma_wait3A_44] : memref<10112x128xf32, #tpu.memory_space<vmem_shared>> -> memref<10112x128xf32, #tpu.memory_space<vmem_shared>>
      tpu.wait_indirect_dma semaphore(%arg9 : memref<!tpu.dma_semaphore, #tpu.memory_space<semaphore_mem>>) src(%arg6 : memref<128x128xf32, #tpu.memory_space<vmem>>) dst(%dma_wait3A_45 : memref<10112x128xf32, #tpu.memory_space<vmem_shared>>)
      %add3A_46 = arith.constant 8 : i32
      %add3A_47 = arith.addi %add3A_40, %add3A_46 : i32
      %dma_start3A = arith.constant 0 : i32
      %dma_start3A_48 = tpu.memref_slice %arg5[%add3A_47, %dma_start3A] : memref<88x128xi32, #tpu.memory_space<vmem>> -> memref<1x128xi32, #tpu.memory_space<vmem>>
      %dma_start3A_49 = tpu.memref_squeeze %dma_start3A_48 : memref<1x128xi32, #tpu.memory_space<vmem>> -> memref<128xi32, #tpu.memory_space<vmem>>
      %dma_start3A_50 = arith.constant 0 : i32
      %dma_start3A_51 = arith.constant 0 : i32
      %dma_start3A_52 = tpu.memref_slice %arg8[%dma_start3A_50, %dma_start3A_51] : memref<10112x128xf32, #tpu.memory_space<vmem_shared>> -> memref<10112x128xf32, #tpu.memory_space<vmem_shared>>
      tpu.enqueue_indirect_dma source(%arg6 : memref<128x128xf32, #tpu.memory_space<vmem>>) target(%dma_start3A_52 : memref<10112x128xf32, #tpu.memory_space<vmem_shared>>) offsets(%dma_start3A_49 : memref<128xi32, #tpu.memory_space<vmem>>) semaphore(%arg9 : memref<!tpu.dma_semaphore, #tpu.memory_space<semaphore_mem>>) {add = true}
    }
    %scan3A_25 = arith.constant 73 : i32
    %scan3A_26 = arith.constant 0 : i32
    %scan3A_27 = arith.constant 8 : i32
    %scan3A_28 = arith.addi %scan3A_26, %scan3A_27 : i32
    %scan3A_29 = arith.constant 1 : i32
    scf.for %scan3A_36 = %scan3A_26 to %scan3A_28 step %scan3A_29  : i32 {
      %mul3A_37 = arith.constant 1 : i32
      %mul3A_38 = arith.muli %scan3A_36, %mul3A_37 : i32
      %add3A_39 = arith.constant 0 : i32
      %add3A_40 = arith.addi %add3A_39, %mul3A_38 : i32
      %dma_wait3A = arith.constant 0 : i32
      %dma_wait3A_41 = tpu.memref_slice %arg5[%add3A_40, %dma_wait3A] : memref<88x128xi32, #tpu.memory_space<vmem>> -> memref<1x128xi32, #tpu.memory_space<vmem>>
      %dma_wait3A_42 = tpu.memref_squeeze %dma_wait3A_41 : memref<1x128xi32, #tpu.memory_space<vmem>> -> memref<128xi32, #tpu.memory_space<vmem>>
      %dma_wait3A_43 = arith.constant 0 : i32
      %dma_wait3A_44 = arith.constant 0 : i32
      %dma_wait3A_45 = tpu.memref_slice %arg8[%dma_wait3A_43, %dma_wait3A_44] : memref<10112x128xf32, #tpu.memory_space<vmem_shared>> -> memref<10112x128xf32, #tpu.memory_space<vmem_shared>>
      tpu.wait_indirect_dma semaphore(%arg9 : memref<!tpu.dma_semaphore, #tpu.memory_space<semaphore_mem>>) src(%arg6 : memref<128x128xf32, #tpu.memory_space<vmem>>) dst(%dma_wait3A_45 : memref<10112x128xf32, #tpu.memory_space<vmem_shared>>)
    }
    %scan3A_30 = arith.constant 8 : i32
    %barrier3A_31 = arith.constant 0 : index
    tpu.barrier barrier_id(%barrier3A_31)
    %mul3A_32 = arith.constant 632 : i32
    %mul3A_33 = arith.muli %arg1, %mul3A_32 : i32
    %mul3A_34 = arith.constant 632 : i32
    %mul3A_35 = arith.muli %arg1, %mul3A_34 : i32
    "tpu.region"() ({
      %run_scoped3A = tpu.sem_alloc : memref<!tpu.dma_semaphore, #tpu.memory_space<semaphore_mem>>
      %dma_start3A = arith.constant 0 : i32
      %dma_start3A_36 = arith.constant 0 : i32
      %dma_start3A_37 = tpu.memref_slice %arg4[%arg0, %dma_start3A, %dma_start3A_36] : memref<2x10112x128xf32, #tpu.memory_space<hbm>> -> memref<1x10112x128xf32, #tpu.memory_space<hbm>>
      %dma_start3A_38 = tpu.memref_squeeze %dma_start3A_37 : memref<1x10112x128xf32, #tpu.memory_space<hbm>> -> memref<10112x128xf32, #tpu.memory_space<hbm>>
      %dma_start3A_39 = arith.constant 0 : i32
      %dma_start3A_40 = tpu.memref_slice %dma_start3A_38[%mul3A_35, %dma_start3A_39] : memref<10112x128xf32, #tpu.memory_space<hbm>> -> memref<632x128xf32, #tpu.memory_space<hbm>>
      %dma_start3A_41 = arith.constant 0 : i32
      %dma_start3A_42 = tpu.memref_slice %arg8[%mul3A_33, %dma_start3A_41] : memref<10112x128xf32, #tpu.memory_space<vmem_shared>> -> memref<632x128xf32, #tpu.memory_space<vmem_shared>>
      tpu.enqueue_dma source(%dma_start3A_42 : memref<632x128xf32, #tpu.memory_space<vmem_shared>>) target(%dma_start3A_40 : memref<632x128xf32, #tpu.memory_space<hbm>>) target_semaphore(%run_scoped3A : memref<!tpu.dma_semaphore, #tpu.memory_space<semaphore_mem>>)
      %dma_wait3A = arith.constant 0 : i32
      %dma_wait3A_43 = arith.constant 0 : i32
      %dma_wait3A_44 = tpu.memref_slice %arg4[%arg0, %dma_wait3A, %dma_wait3A_43] : memref<2x10112x128xf32, #tpu.memory_space<hbm>> -> memref<1x10112x128xf32, #tpu.memory_space<hbm>>
      %dma_wait3A_45 = tpu.memref_squeeze %dma_wait3A_44 : memref<1x10112x128xf32, #tpu.memory_space<hbm>> -> memref<10112x128xf32, #tpu.memory_space<hbm>>
      %dma_wait3A_46 = arith.constant 0 : i32
      %dma_wait3A_47 = tpu.memref_slice %dma_wait3A_45[%mul3A_35, %dma_wait3A_46] : memref<10112x128xf32, #tpu.memory_space<hbm>> -> memref<632x128xf32, #tpu.memory_space<hbm>>
      %dma_wait3A_48 = arith.constant 0 : i32
      %dma_wait3A_49 = tpu.memref_slice %arg8[%mul3A_33, %dma_wait3A_48] : memref<10112x128xf32, #tpu.memory_space<vmem_shared>> -> memref<632x128xf32, #tpu.memory_space<vmem_shared>>
      tpu.wait_dma2 semaphore(%run_scoped3A : memref<!tpu.dma_semaphore, #tpu.memory_space<semaphore_mem>>) src(%dma_wait3A_49 : memref<632x128xf32, #tpu.memory_space<vmem_shared>>) dst(%dma_wait3A_47 : memref<632x128xf32, #tpu.memory_space<hbm>>)
      tpu.yield
    }) : () -> ()
    return
  }
}

#map = affine_map<(d0, d1) -> (0, 0)>
#map1 = affine_map<(d0, d1) -> (0, 0, 0)>
module attributes {stable_mosaic.version = 14 : i64} {
  func.func @_agg_body(%arg0: i32, %arg1: i32, %arg2: memref<10000x128xf32, #tpu.memory_space<hbm>>, %arg3: memref<2560x128xi32, #tpu.memory_space<hbm>>, %arg4: memref<2560x128xi32, #tpu.memory_space<hbm>>, %arg5: memref<2x10112x128xf32, #tpu.memory_space<hbm>>, %arg6: memref<1x128xi32, #tpu.memory_space<vmem>>, %arg7: memref<1x128xi32, #tpu.memory_space<vmem>>, %arg8: memref<128x128xf32, #tpu.memory_space<vmem>>, %arg9: memref<16x128xf32, #tpu.memory_space<vmem>>, %arg10: memref<10112x128xf32, #tpu.memory_space<vmem_shared>>) attributes {dimension_semantics = [#tpu.dimension_semantics<core_parallel>, #tpu.dimension_semantics<subcore_parallel>], iteration_bounds = array<i64: 2, 16>, scalar_prefetch = 0 : i64, scratch_operands = 5 : i64, tpu.core_type = #tpu.core_type<sc_vector_subcore>, window_params = [{transform_indices = #map}, {transform_indices = #map}, {transform_indices = #map}, {transform_indices = #map1}]} {
    %scan3A = arith.constant 0 : i32
    %scan3A_0 = arith.constant 16 : i32
    %scan3A_1 = arith.addi %scan3A, %scan3A_0 : i32
    %scan3A_2 = arith.constant 1 : i32
    scf.for %scan3A_26 = %scan3A to %scan3A_1 step %scan3A_2  : i32 {
      %mul3A_27 = arith.constant 1 : i32
      %mul3A_28 = arith.muli %scan3A_26, %mul3A_27 : i32
      %add3A_29 = arith.constant 0 : i32
      %add3A_30 = arith.addi %add3A_29, %mul3A_28 : i32
      %scan3A_31 = arith.constant 0 : i32
      %scan3A_32 = arith.constant 8 : i32
      %scan3A_33 = arith.addi %scan3A_31, %scan3A_32 : i32
      %scan3A_34 = arith.constant 1 : i32
      scf.for %scan3A_36 = %scan3A_31 to %scan3A_33 step %scan3A_34  : i32 {
        %mul3A_37 = arith.constant 1 : i32
        %mul3A_38 = arith.muli %scan3A_36, %mul3A_37 : i32
        %add3A_39 = arith.constant 0 : i32
        %add3A_40 = arith.addi %add3A_39, %mul3A_38 : i32
        %broadcast_in_dim3A = arith.constant 0.000000e+00 : f32
        %broadcast_in_dim3A_41 = vector.broadcast %broadcast_in_dim3A : f32 to vector<16xf32>
        %mul3A_42 = arith.constant 16 : i32
        %mul3A_43 = arith.muli %add3A_40, %mul3A_42 : i32
        %swap3A = arith.index_cast %add3A_30 : i32 to index
        %swap3A_44 = arith.index_cast %mul3A_43 : i32 to index
        %swap3A_45 = tpu.vector_load %arg9[%swap3A, %swap3A_44] {strides = array<i32>} : memref<16x128xf32, #tpu.memory_space<vmem>>, vector<16xf32>,
        tpu.vector_store %arg9[%swap3A, %swap3A_44], %broadcast_in_dim3A_41 {strides = array<i32>} : memref<16x128xf32, #tpu.memory_space<vmem>>, vector<16xf32>,
      }
      %scan3A_35 = arith.constant 8 : i32
    }
    %scan3A_3 = arith.constant 16 : i32
    %scan3A_4 = arith.constant 0 : i32
    %scan3A_5 = arith.constant 39 : i32
    %scan3A_6 = arith.addi %scan3A_4, %scan3A_5 : i32
    %scan3A_7 = arith.constant 1 : i32
    scf.for %scan3A_26 = %scan3A_4 to %scan3A_6 step %scan3A_7  : i32 {
      %mul3A_27 = arith.constant 1 : i32
      %mul3A_28 = arith.muli %scan3A_26, %mul3A_27 : i32
      %add3A_29 = arith.constant 0 : i32
      %add3A_30 = arith.addi %add3A_29, %mul3A_28 : i32
      %mul3A_31 = arith.constant 632 : i32
      %mul3A_32 = arith.muli %arg1, %mul3A_31 : i32
      %mul3A_33 = arith.constant 16 : i32
      %mul3A_34 = arith.muli %add3A_30, %mul3A_33 : i32
      %add3A_35 = arith.addi %mul3A_32, %mul3A_34 : i32
      "tpu.region"() ({
        %run_scoped3A = tpu.sem_alloc : memref<!tpu.dma_semaphore, #tpu.memory_space<semaphore_mem>>
        %dma_start3A = arith.constant 0 : i32
        %dma_start3A_36 = tpu.memref_slice %arg10[%add3A_35, %dma_start3A] : memref<10112x128xf32, #tpu.memory_space<vmem_shared>> -> memref<16x128xf32, #tpu.memory_space<vmem_shared>>
        %dma_start3A_37 = arith.constant 0 : i32
        %dma_start3A_38 = tpu.memref_slice %arg10[%add3A_35, %dma_start3A_37] : memref<10112x128xf32, #tpu.memory_space<vmem_shared>> -> memref<16x128xf32, #tpu.memory_space<vmem_shared>>
        tpu.enqueue_dma source(%arg9 : memref<16x128xf32, #tpu.memory_space<vmem>>) target(%dma_start3A_38 : memref<16x128xf32, #tpu.memory_space<vmem_shared>>) target_semaphore(%run_scoped3A : memref<!tpu.dma_semaphore, #tpu.memory_space<semaphore_mem>>)
        %dma_wait3A = arith.constant 0 : i32
        %dma_wait3A_39 = tpu.memref_slice %arg10[%add3A_35, %dma_wait3A] : memref<10112x128xf32, #tpu.memory_space<vmem_shared>> -> memref<16x128xf32, #tpu.memory_space<vmem_shared>>
        %dma_wait3A_40 = arith.constant 0 : i32
        %dma_wait3A_41 = tpu.memref_slice %arg10[%add3A_35, %dma_wait3A_40] : memref<10112x128xf32, #tpu.memory_space<vmem_shared>> -> memref<16x128xf32, #tpu.memory_space<vmem_shared>>
        tpu.wait_dma2 semaphore(%run_scoped3A : memref<!tpu.dma_semaphore, #tpu.memory_space<semaphore_mem>>) src(%arg9 : memref<16x128xf32, #tpu.memory_space<vmem>>) dst(%dma_wait3A_41 : memref<16x128xf32, #tpu.memory_space<vmem_shared>>)
        tpu.yield
      }) : () -> ()
    }
    %scan3A_8 = arith.constant 39 : i32
    %mul3A = arith.constant 632 : i32
    %mul3A_9 = arith.muli %arg1, %mul3A : i32
    %add3A = arith.constant 624 : i32
    %add3A_10 = arith.addi %mul3A_9, %add3A : i32
    "tpu.region"() ({
      %run_scoped3A = tpu.sem_alloc : memref<!tpu.dma_semaphore, #tpu.memory_space<semaphore_mem>>
      %dma_start3A = arith.constant 0 : i32
      %dma_start3A_26 = arith.constant 0 : i32
      %dma_start3A_27 = tpu.memref_slice %arg9[%dma_start3A, %dma_start3A_26] : memref<16x128xf32, #tpu.memory_space<vmem>> -> memref<8x128xf32, #tpu.memory_space<vmem>>
      %dma_start3A_28 = arith.constant 0 : i32
      %dma_start3A_29 = tpu.memref_slice %arg10[%add3A_10, %dma_start3A_28] : memref<10112x128xf32, #tpu.memory_space<vmem_shared>> -> memref<8x128xf32, #tpu.memory_space<vmem_shared>>
      %dma_start3A_30 = arith.constant 0 : i32
      %dma_start3A_31 = tpu.memref_slice %arg10[%add3A_10, %dma_start3A_30] : memref<10112x128xf32, #tpu.memory_space<vmem_shared>> -> memref<8x128xf32, #tpu.memory_space<vmem_shared>>
      %dma_start3A_32 = arith.constant 0 : i32
      %dma_start3A_33 = arith.constant 0 : i32
      %dma_start3A_34 = tpu.memref_slice %arg9[%dma_start3A_32, %dma_start3A_33] : memref<16x128xf32, #tpu.memory_space<vmem>> -> memref<8x128xf32, #tpu.memory_space<vmem>>
      tpu.enqueue_dma source(%dma_start3A_34 : memref<8x128xf32, #tpu.memory_space<vmem>>) target(%dma_start3A_31 : memref<8x128xf32, #tpu.memory_space<vmem_shared>>) target_semaphore(%run_scoped3A : memref<!tpu.dma_semaphore, #tpu.memory_space<semaphore_mem>>)
      %dma_wait3A = arith.constant 0 : i32
      %dma_wait3A_35 = arith.constant 0 : i32
      %dma_wait3A_36 = tpu.memref_slice %arg9[%dma_wait3A, %dma_wait3A_35] : memref<16x128xf32, #tpu.memory_space<vmem>> -> memref<8x128xf32, #tpu.memory_space<vmem>>
      %dma_wait3A_37 = arith.constant 0 : i32
      %dma_wait3A_38 = tpu.memref_slice %arg10[%add3A_10, %dma_wait3A_37] : memref<10112x128xf32, #tpu.memory_space<vmem_shared>> -> memref<8x128xf32, #tpu.memory_space<vmem_shared>>
      %dma_wait3A_39 = arith.constant 0 : i32
      %dma_wait3A_40 = tpu.memref_slice %arg10[%add3A_10, %dma_wait3A_39] : memref<10112x128xf32, #tpu.memory_space<vmem_shared>> -> memref<8x128xf32, #tpu.memory_space<vmem_shared>>
      %dma_wait3A_41 = arith.constant 0 : i32
      %dma_wait3A_42 = arith.constant 0 : i32
      %dma_wait3A_43 = tpu.memref_slice %arg9[%dma_wait3A_41, %dma_wait3A_42] : memref<16x128xf32, #tpu.memory_space<vmem>> -> memref<8x128xf32, #tpu.memory_space<vmem>>
      tpu.wait_dma2 semaphore(%run_scoped3A : memref<!tpu.dma_semaphore, #tpu.memory_space<semaphore_mem>>) src(%dma_wait3A_43 : memref<8x128xf32, #tpu.memory_space<vmem>>) dst(%dma_wait3A_40 : memref<8x128xf32, #tpu.memory_space<vmem_shared>>)
      tpu.yield
    }) : () -> ()
    %barrier3A = arith.constant 0 : index
    tpu.barrier barrier_id(%barrier3A)
    %mul3A_11 = arith.constant 16 : i32
    %mul3A_12 = arith.muli %arg0, %mul3A_11 : i32
    %add3A_13 = arith.addi %mul3A_12, %arg1 : i32
    %mul3A_14 = arith.constant 80 : i32
    %mul3A_15 = arith.muli %add3A_13, %mul3A_14 : i32
    %scan3A_16 = arith.constant 0 : i32
    %scan3A_17 = arith.constant 80 : i32
    %scan3A_18 = arith.addi %scan3A_16, %scan3A_17 : i32
    %scan3A_19 = arith.constant 1 : i32
    scf.for %scan3A_26 = %scan3A_16 to %scan3A_18 step %scan3A_19  : i32 {
      %mul3A_27 = arith.constant 1 : i32
      %mul3A_28 = arith.muli %scan3A_26, %mul3A_27 : i32
      %add3A_29 = arith.constant 0 : i32
      %add3A_30 = arith.addi %add3A_29, %mul3A_28 : i32
      %add3A_31 = arith.addi %mul3A_15, %add3A_30 : i32
      "tpu.region"() ({
        %run_scoped3A_34 = tpu.sem_alloc : memref<!tpu.dma_semaphore, #tpu.memory_space<semaphore_mem>>
        %dma_start3A = arith.constant 0 : i32
        %dma_start3A_35 = tpu.memref_slice %arg3[%add3A_31, %dma_start3A] : memref<2560x128xi32, #tpu.memory_space<hbm>> -> memref<1x128xi32, #tpu.memory_space<hbm>>
        %dma_start3A_36 = arith.constant 0 : i32
        %dma_start3A_37 = tpu.memref_slice %arg3[%add3A_31, %dma_start3A_36] : memref<2560x128xi32, #tpu.memory_space<hbm>> -> memref<1x128xi32, #tpu.memory_space<hbm>>
        tpu.enqueue_dma source(%dma_start3A_37 : memref<1x128xi32, #tpu.memory_space<hbm>>) target(%arg6 : memref<1x128xi32, #tpu.memory_space<vmem>>) target_semaphore(%run_scoped3A_34 : memref<!tpu.dma_semaphore, #tpu.memory_space<semaphore_mem>>)
        %dma_wait3A = arith.constant 0 : i32
        %dma_wait3A_38 = tpu.memref_slice %arg3[%add3A_31, %dma_wait3A] : memref<2560x128xi32, #tpu.memory_space<hbm>> -> memref<1x128xi32, #tpu.memory_space<hbm>>
        %dma_wait3A_39 = arith.constant 0 : i32
        %dma_wait3A_40 = tpu.memref_slice %arg3[%add3A_31, %dma_wait3A_39] : memref<2560x128xi32, #tpu.memory_space<hbm>> -> memref<1x128xi32, #tpu.memory_space<hbm>>
        tpu.wait_dma2 semaphore(%run_scoped3A_34 : memref<!tpu.dma_semaphore, #tpu.memory_space<semaphore_mem>>) src(%dma_wait3A_40 : memref<1x128xi32, #tpu.memory_space<hbm>>) dst(%arg6 : memref<1x128xi32, #tpu.memory_space<vmem>>)
        tpu.yield
      }) : () -> ()
      %add3A_32 = arith.addi %mul3A_15, %add3A_30 : i32
      "tpu.region"() ({
        %run_scoped3A_34 = tpu.sem_alloc : memref<!tpu.dma_semaphore, #tpu.memory_space<semaphore_mem>>
        %dma_start3A = arith.constant 0 : i32
        %dma_start3A_35 = tpu.memref_slice %arg4[%add3A_32, %dma_start3A] : memref<2560x128xi32, #tpu.memory_space<hbm>> -> memref<1x128xi32, #tpu.memory_space<hbm>>
        %dma_start3A_36 = arith.constant 0 : i32
        %dma_start3A_37 = tpu.memref_slice %arg4[%add3A_32, %dma_start3A_36] : memref<2560x128xi32, #tpu.memory_space<hbm>> -> memref<1x128xi32, #tpu.memory_space<hbm>>
        tpu.enqueue_dma source(%dma_start3A_37 : memref<1x128xi32, #tpu.memory_space<hbm>>) target(%arg7 : memref<1x128xi32, #tpu.memory_space<vmem>>) target_semaphore(%run_scoped3A_34 : memref<!tpu.dma_semaphore, #tpu.memory_space<semaphore_mem>>)
        %dma_wait3A = arith.constant 0 : i32
        %dma_wait3A_38 = tpu.memref_slice %arg4[%add3A_32, %dma_wait3A] : memref<2560x128xi32, #tpu.memory_space<hbm>> -> memref<1x128xi32, #tpu.memory_space<hbm>>
        %dma_wait3A_39 = arith.constant 0 : i32
        %dma_wait3A_40 = tpu.memref_slice %arg4[%add3A_32, %dma_wait3A_39] : memref<2560x128xi32, #tpu.memory_space<hbm>> -> memref<1x128xi32, #tpu.memory_space<hbm>>
        tpu.wait_dma2 semaphore(%run_scoped3A_34 : memref<!tpu.dma_semaphore, #tpu.memory_space<semaphore_mem>>) src(%dma_wait3A_40 : memref<1x128xi32, #tpu.memory_space<hbm>>) dst(%arg7 : memref<1x128xi32, #tpu.memory_space<vmem>>)
        tpu.yield
      }) : () -> ()
      %run_scoped3A = arith.constant 0 : i32
      "tpu.region"() ({
        %run_scoped3A_34 = tpu.sem_alloc : memref<!tpu.dma_semaphore, #tpu.memory_space<semaphore_mem>>
        %dma_start3A = arith.constant 0 : i32
        %dma_start3A_35 = tpu.memref_slice %arg6[%run_scoped3A, %dma_start3A] : memref<1x128xi32, #tpu.memory_space<vmem>> -> memref<1x128xi32, #tpu.memory_space<vmem>>
        %dma_start3A_36 = tpu.memref_squeeze %dma_start3A_35 : memref<1x128xi32, #tpu.memory_space<vmem>> -> memref<128xi32, #tpu.memory_space<vmem>>
        %dma_start3A_37 = arith.constant 0 : i32
        %dma_start3A_38 = arith.constant 0 : i32
        %dma_start3A_39 = tpu.memref_slice %arg2[%dma_start3A_37, %dma_start3A_38] : memref<10000x128xf32, #tpu.memory_space<hbm>> -> memref<10000x128xf32, #tpu.memory_space<hbm>>
        tpu.enqueue_indirect_dma source(%dma_start3A_39 : memref<10000x128xf32, #tpu.memory_space<hbm>>) target(%arg8 : memref<128x128xf32, #tpu.memory_space<vmem>>) offsets(%dma_start3A_36 : memref<128xi32, #tpu.memory_space<vmem>>) semaphore(%run_scoped3A_34 : memref<!tpu.dma_semaphore, #tpu.memory_space<semaphore_mem>>)
        %dma_wait3A = arith.constant 0 : i32
        %dma_wait3A_40 = tpu.memref_slice %arg6[%run_scoped3A, %dma_wait3A] : memref<1x128xi32, #tpu.memory_space<vmem>> -> memref<1x128xi32, #tpu.memory_space<vmem>>
        %dma_wait3A_41 = tpu.memref_squeeze %dma_wait3A_40 : memref<1x128xi32, #tpu.memory_space<vmem>> -> memref<128xi32, #tpu.memory_space<vmem>>
        %dma_wait3A_42 = arith.constant 0 : i32
        %dma_wait3A_43 = arith.constant 0 : i32
        %dma_wait3A_44 = tpu.memref_slice %arg2[%dma_wait3A_42, %dma_wait3A_43] : memref<10000x128xf32, #tpu.memory_space<hbm>> -> memref<10000x128xf32, #tpu.memory_space<hbm>>
        tpu.wait_indirect_dma semaphore(%run_scoped3A_34 : memref<!tpu.dma_semaphore, #tpu.memory_space<semaphore_mem>>) src(%dma_wait3A_44 : memref<10000x128xf32, #tpu.memory_space<hbm>>) dst(%arg8 : memref<128x128xf32, #tpu.memory_space<vmem>>)
        tpu.yield
      }) : () -> ()
      %run_scoped3A_33 = arith.constant 0 : i32
      "tpu.region"() ({
        %run_scoped3A_34 = tpu.sem_alloc : memref<!tpu.dma_semaphore, #tpu.memory_space<semaphore_mem>>
        %dma_start3A = arith.constant 0 : i32
        %dma_start3A_35 = tpu.memref_slice %arg7[%run_scoped3A_33, %dma_start3A] : memref<1x128xi32, #tpu.memory_space<vmem>> -> memref<1x128xi32, #tpu.memory_space<vmem>>
        %dma_start3A_36 = tpu.memref_squeeze %dma_start3A_35 : memref<1x128xi32, #tpu.memory_space<vmem>> -> memref<128xi32, #tpu.memory_space<vmem>>
        %dma_start3A_37 = arith.constant 0 : i32
        %dma_start3A_38 = arith.constant 0 : i32
        %dma_start3A_39 = tpu.memref_slice %arg10[%dma_start3A_37, %dma_start3A_38] : memref<10112x128xf32, #tpu.memory_space<vmem_shared>> -> memref<10112x128xf32, #tpu.memory_space<vmem_shared>>
        tpu.enqueue_indirect_dma source(%arg8 : memref<128x128xf32, #tpu.memory_space<vmem>>) target(%dma_start3A_39 : memref<10112x128xf32, #tpu.memory_space<vmem_shared>>) offsets(%dma_start3A_36 : memref<128xi32, #tpu.memory_space<vmem>>) semaphore(%run_scoped3A_34 : memref<!tpu.dma_semaphore, #tpu.memory_space<semaphore_mem>>) {add = true}
        %dma_wait3A = arith.constant 0 : i32
        %dma_wait3A_40 = tpu.memref_slice %arg7[%run_scoped3A_33, %dma_wait3A] : memref<1x128xi32, #tpu.memory_space<vmem>> -> memref<1x128xi32, #tpu.memory_space<vmem>>
        %dma_wait3A_41 = tpu.memref_squeeze %dma_wait3A_40 : memref<1x128xi32, #tpu.memory_space<vmem>> -> memref<128xi32, #tpu.memory_space<vmem>>
        %dma_wait3A_42 = arith.constant 0 : i32
        %dma_wait3A_43 = arith.constant 0 : i32
        %dma_wait3A_44 = tpu.memref_slice %arg10[%dma_wait3A_42, %dma_wait3A_43] : memref<10112x128xf32, #tpu.memory_space<vmem_shared>> -> memref<10112x128xf32, #tpu.memory_space<vmem_shared>>
        tpu.wait_indirect_dma semaphore(%run_scoped3A_34 : memref<!tpu.dma_semaphore, #tpu.memory_space<semaphore_mem>>) src(%arg8 : memref<128x128xf32, #tpu.memory_space<vmem>>) dst(%dma_wait3A_44 : memref<10112x128xf32, #tpu.memory_space<vmem_shared>>)
        tpu.yield
      }) : () -> ()
    }
    %scan3A_20 = arith.constant 80 : i32
    %barrier3A_21 = arith.constant 0 : index
    tpu.barrier barrier_id(%barrier3A_21)
    %mul3A_22 = arith.constant 632 : i32
    %mul3A_23 = arith.muli %arg1, %mul3A_22 : i32
    %mul3A_24 = arith.constant 632 : i32
    %mul3A_25 = arith.muli %arg1, %mul3A_24 : i32
    "tpu.region"() ({
      %run_scoped3A = tpu.sem_alloc : memref<!tpu.dma_semaphore, #tpu.memory_space<semaphore_mem>>
      %dma_start3A = arith.constant 0 : i32
      %dma_start3A_26 = arith.constant 0 : i32
      %dma_start3A_27 = tpu.memref_slice %arg5[%arg0, %dma_start3A, %dma_start3A_26] : memref<2x10112x128xf32, #tpu.memory_space<hbm>> -> memref<1x10112x128xf32, #tpu.memory_space<hbm>>
      %dma_start3A_28 = tpu.memref_squeeze %dma_start3A_27 : memref<1x10112x128xf32, #tpu.memory_space<hbm>> -> memref<10112x128xf32, #tpu.memory_space<hbm>>
      %dma_start3A_29 = arith.constant 0 : i32
      %dma_start3A_30 = tpu.memref_slice %dma_start3A_28[%mul3A_25, %dma_start3A_29] : memref<10112x128xf32, #tpu.memory_space<hbm>> -> memref<632x128xf32, #tpu.memory_space<hbm>>
      %dma_start3A_31 = arith.constant 0 : i32
      %dma_start3A_32 = tpu.memref_slice %arg10[%mul3A_23, %dma_start3A_31] : memref<10112x128xf32, #tpu.memory_space<vmem_shared>> -> memref<632x128xf32, #tpu.memory_space<vmem_shared>>
      tpu.enqueue_dma source(%dma_start3A_32 : memref<632x128xf32, #tpu.memory_space<vmem_shared>>) target(%dma_start3A_30 : memref<632x128xf32, #tpu.memory_space<hbm>>) target_semaphore(%run_scoped3A : memref<!tpu.dma_semaphore, #tpu.memory_space<semaphore_mem>>)
      %dma_wait3A = arith.constant 0 : i32
      %dma_wait3A_33 = arith.constant 0 : i32
      %dma_wait3A_34 = tpu.memref_slice %arg5[%arg0, %dma_wait3A, %dma_wait3A_33] : memref<2x10112x128xf32, #tpu.memory_space<hbm>> -> memref<1x10112x128xf32, #tpu.memory_space<hbm>>
      %dma_wait3A_35 = tpu.memref_squeeze %dma_wait3A_34 : memref<1x10112x128xf32, #tpu.memory_space<hbm>> -> memref<10112x128xf32, #tpu.memory_space<hbm>>
      %dma_wait3A_36 = arith.constant 0 : i32
      %dma_wait3A_37 = tpu.memref_slice %dma_wait3A_35[%mul3A_25, %dma_wait3A_36] : memref<10112x128xf32, #tpu.memory_space<hbm>> -> memref<632x128xf32, #tpu.memory_space<hbm>>
      %dma_wait3A_38 = arith.constant 0 : i32
      %dma_wait3A_39 = tpu.memref_slice %arg10[%mul3A_23, %dma_wait3A_38] : memref<10112x128xf32, #tpu.memory_space<vmem_shared>> -> memref<632x128xf32, #tpu.memory_space<vmem_shared>>
      tpu.wait_dma2 semaphore(%run_scoped3A : memref<!tpu.dma_semaphore, #tpu.memory_space<semaphore_mem>>) src(%dma_wait3A_39 : memref<632x128xf32, #tpu.memory_space<vmem_shared>>) dst(%dma_wait3A_37 : memref<632x128xf32, #tpu.memory_space<hbm>>)
      tpu.yield
    }) : () -> ()
    return
  }
}

module attributes {stable_mosaic.version = 14 : i64} {
  func.func @_layer_body(%arg0: i32, %arg1: memref<2x400x128xf32, #tpu.memory_space<vmem>>, %arg2: memref<400x128xf32, #tpu.memory_space<vmem>>, %arg3: memref<400x1xf32, #tpu.memory_space<vmem>>, %arg4: memref<1x128xf32, #tpu.memory_space<vmem>>, %arg5: memref<128x128xf32, #tpu.memory_space<vmem>>, %arg6: memref<400x128xf32, #tpu.memory_space<vmem>>) attributes {dimension_semantics = [#tpu.dimension_semantics<arbitrary>], iteration_bounds = array<i64: 25>, scalar_prefetch = 0 : i64, scratch_operands = 0 : i64, tpu.core_type = #tpu.core_type<tc>, window_params = [{transform_indices = @transform_0, window_bounds = array<i64: 2, 400, 128>}, {transform_indices = @transform_1, window_bounds = array<i64: 400, 128>}, {transform_indices = @transform_2, window_bounds = array<i64: 400, 1>}, {pipeline_mode = #tpu.pipeline_mode<synchronous>, transform_indices = @transform_3, window_bounds = array<i64: 1, 128>}, {pipeline_mode = #tpu.pipeline_mode<synchronous>, transform_indices = @transform_4, window_bounds = array<i64: 128, 128>}, {transform_indices = @transform_5, window_bounds = array<i64: 400, 128>}]} {
    %get3A = arith.constant 0 : index
    %get3A_0 = arith.constant 0 : index
    %get3A_1 = arith.constant 0 : index
    %get3A_2 = vector.load %arg1[%get3A, %get3A_0, %get3A_1] : memref<2x400x128xf32, #tpu.memory_space<vmem>>, vector<2x400x128xf32>
    %slice3A = vector.extract_strided_slice %get3A_2 {offsets = [0, 0, 0], sizes = [1, 400, 128], strides = [1, 1, 1]} : vector<2x400x128xf32> to vector<1x400x128xf32>
    %squeeze3A = vector.shape_cast %slice3A : vector<1x400x128xf32> to vector<400x128xf32>
    %slice3A_3 = vector.extract_strided_slice %get3A_2 {offsets = [1, 0, 0], sizes = [1, 400, 128], strides = [1, 1, 1]} : vector<2x400x128xf32> to vector<1x400x128xf32>
    %squeeze3A_4 = vector.shape_cast %slice3A_3 : vector<1x400x128xf32> to vector<400x128xf32>
    %add3A = arith.addf %squeeze3A, %squeeze3A_4 : vector<400x128xf32>
    %get3A_5 = arith.constant 0 : index
    %get3A_6 = arith.constant 0 : index
    %get3A_7 = vector.load %arg2[%get3A_5, %get3A_6] : memref<400x128xf32, #tpu.memory_space<vmem>>, vector<400x128xf32>
    %add3A_8 = arith.addf %add3A, %get3A_7 : vector<400x128xf32>
    %get3A_9 = arith.constant 0 : index
    %get3A_10 = arith.constant 0 : index
    %get3A_11 = vector.load %arg3[%get3A_9, %get3A_10] : memref<400x1xf32, #tpu.memory_space<vmem>>, vector<400x1xf32>
    %mul3A = vector.broadcast %get3A_11 : vector<400x1xf32> to vector<400x128xf32>
    %mul3A_12 = arith.mulf %add3A_8, %mul3A : vector<400x128xf32>
    %get3A_13 = arith.constant 0 : index
    %get3A_14 = arith.constant 0 : index
    %get3A_15 = vector.load %arg4[%get3A_13, %get3A_14] : memref<1x128xf32, #tpu.memory_space<vmem>>, vector<1x128xf32>
    %add3A_16 = vector.broadcast %get3A_15 : vector<1x128xf32> to vector<400x128xf32>
    %add3A_17 = arith.addf %mul3A_12, %add3A_16 : vector<400x128xf32>
    %max3A = arith.constant 0.000000e+00 : f32
    %max3A_18 = vector.broadcast %max3A : f32 to vector<400x128xf32>
    %max3A_19 = arith.maximumf %add3A_17, %max3A_18 : vector<400x128xf32>
    %get3A_20 = arith.constant 0 : index
    %get3A_21 = arith.constant 0 : index
    %get3A_22 = vector.load %arg5[%get3A_20, %get3A_21] : memref<128x128xf32, #tpu.memory_space<vmem>>, vector<128x128xf32>
    %dot_general3A = arith.constant dense<0.000000e+00> : vector<400x128xf32>
    %dot_general3A_23 = tpu.matmul %max3A_19, %get3A_22, %dot_general3A {dimension_numbers = #tpu.dot_dimension_numbers<[1], [0], [0], [1], [0, 0, 1, 1], [], []>, precision = #tpu.contract_precision<fp32>, transpose_lhs_hint = false} : vector<400x128xf32>, vector<128x128xf32>, vector<400x128xf32> -> vector<400x128xf32>
    %get3A_24 = arith.constant 0 : index
    %get3A_25 = arith.constant 0 : index
    %get3A_26 = vector.load %arg3[%get3A_24, %get3A_25] : memref<400x1xf32, #tpu.memory_space<vmem>>, vector<400x1xf32>
    %mul3A_27 = vector.broadcast %get3A_26 : vector<400x1xf32> to vector<400x128xf32>
    %mul3A_28 = arith.mulf %dot_general3A_23, %mul3A_27 : vector<400x128xf32>
    %swap3A = arith.constant 0 : index
    %swap3A_29 = arith.constant 0 : index
    %swap3A_30 = vector.load %arg6[%swap3A, %swap3A_29] : memref<400x128xf32, #tpu.memory_space<vmem>>, vector<400x128xf32>
    tpu.vector_store %arg6[%swap3A, %swap3A_29], %mul3A_28 {strides = array<i32>} : memref<400x128xf32, #tpu.memory_space<vmem>>, vector<400x128xf32>,
    return
  }
  func.func @transform_0(%arg0: i32) -> (i32, i32, i32) {
    %c0_i32 = arith.constant 0 : i32
    %c0_i32_0 = arith.constant 0 : i32
    %c0_i32_1 = arith.constant 0 : i32
    return %c0_i32, %arg0, %c0_i32_0 : i32, i32, i32
  }
  func.func @transform_1(%arg0: i32) -> (i32, i32) {
    %c0_i32 = arith.constant 0 : i32
    %c0_i32_0 = arith.constant 0 : i32
    return %arg0, %c0_i32 : i32, i32
  }
  func.func @transform_2(%arg0: i32) -> (i32, i32) {
    %c0_i32 = arith.constant 0 : i32
    %c0_i32_0 = arith.constant 0 : i32
    return %arg0, %c0_i32 : i32, i32
  }
  func.func @transform_3(%arg0: i32) -> (i32, i32) {
    %c0_i32 = arith.constant 0 : i32
    %c0_i32_0 = arith.constant 0 : i32
    %c0_i32_1 = arith.constant 0 : i32
    return %c0_i32, %c0_i32_0 : i32, i32
  }
  func.func @transform_4(%arg0: i32) -> (i32, i32) {
    %c0_i32 = arith.constant 0 : i32
    %c0_i32_0 = arith.constant 0 : i32
    %c0_i32_1 = arith.constant 0 : i32
    return %c0_i32, %c0_i32_0 : i32, i32
  }
  func.func @transform_5(%arg0: i32) -> (i32, i32) {
    %c0_i32 = arith.constant 0 : i32
    %c0_i32_0 = arith.constant 0 : i32
    return %arg0, %c0_i32 : i32, i32
  }
}

module attributes {stable_mosaic.version = 14 : i64} {
  func.func @_head_body(%arg0: i32, %arg1: memref<2x400x128xf32, #tpu.memory_space<vmem>>, %arg2: memref<400x128xf32, #tpu.memory_space<vmem>>, %arg3: memref<128x128xf32, #tpu.memory_space<vmem>>, %arg4: memref<400x128xf32, #tpu.memory_space<vmem>>, %arg5: memref<400x1xf32, #tpu.memory_space<vmem>>) attributes {dimension_semantics = [#tpu.dimension_semantics<arbitrary>], iteration_bounds = array<i64: 25>, scalar_prefetch = 0 : i64, scratch_operands = 0 : i64, tpu.core_type = #tpu.core_type<tc>, window_params = [{transform_indices = @transform_0, window_bounds = array<i64: 2, 400, 128>}, {transform_indices = @transform_1, window_bounds = array<i64: 400, 128>}, {pipeline_mode = #tpu.pipeline_mode<synchronous>, transform_indices = @transform_2, window_bounds = array<i64: 128, 128>}, {transform_indices = @transform_3, window_bounds = array<i64: 400, 128>}, {transform_indices = @transform_4, window_bounds = array<i64: 400, 1>}]} {
    %get3A = arith.constant 0 : index
    %get3A_0 = arith.constant 0 : index
    %get3A_1 = arith.constant 0 : index
    %get3A_2 = vector.load %arg1[%get3A, %get3A_0, %get3A_1] : memref<2x400x128xf32, #tpu.memory_space<vmem>>, vector<2x400x128xf32>
    %reduce_sum3A = arith.constant dense<0.000000e+00> : vector<400x128xf32>
    %reduce_sum3A_3 = vector.multi_reduction <add>, %get3A_2, %reduce_sum3A [0] : vector<2x400x128xf32> to vector<400x128xf32>
    %slice3A = vector.extract_strided_slice %reduce_sum3A_3 {offsets = [0, 0], sizes = [400, 1], strides = [1, 1]} : vector<400x128xf32> to vector<400x1xf32>
    %add3A = arith.constant 1.000000e+00 : f32
    %add3A_4 = vector.broadcast %add3A : f32 to vector<400x1xf32>
    %add3A_5 = arith.addf %slice3A, %add3A_4 : vector<400x1xf32>
    %rsqrt3A = math.rsqrt %add3A_5 : vector<400x1xf32>
    %swap3A = arith.constant 0 : index
    %swap3A_6 = arith.constant 0 : index
    %swap3A_7 = vector.load %arg5[%swap3A, %swap3A_6] : memref<400x1xf32, #tpu.memory_space<vmem>>, vector<400x1xf32>
    tpu.vector_store %arg5[%swap3A, %swap3A_6], %rsqrt3A {strides = array<i32>} : memref<400x1xf32, #tpu.memory_space<vmem>>, vector<400x1xf32>,
    %get3A_8 = arith.constant 0 : index
    %get3A_9 = arith.constant 0 : index
    %get3A_10 = vector.load %arg2[%get3A_8, %get3A_9] : memref<400x128xf32, #tpu.memory_space<vmem>>, vector<400x128xf32>
    %get3A_11 = arith.constant 0 : index
    %get3A_12 = arith.constant 0 : index
    %get3A_13 = vector.load %arg3[%get3A_11, %get3A_12] : memref<128x128xf32, #tpu.memory_space<vmem>>, vector<128x128xf32>
    %dot_general3A = arith.constant dense<0.000000e+00> : vector<400x128xf32>
    %dot_general3A_14 = tpu.matmul %get3A_10, %get3A_13, %dot_general3A {dimension_numbers = #tpu.dot_dimension_numbers<[1], [0], [0], [1], [0, 0, 1, 1], [], []>, precision = #tpu.contract_precision<fp32>, transpose_lhs_hint = false} : vector<400x128xf32>, vector<128x128xf32>, vector<400x128xf32> -> vector<400x128xf32>
    %mul3A = vector.broadcast %rsqrt3A : vector<400x1xf32> to vector<400x128xf32>
    %mul3A_15 = arith.mulf %dot_general3A_14, %mul3A : vector<400x128xf32>
    %swap3A_16 = arith.constant 0 : index
    %swap3A_17 = arith.constant 0 : index
    %swap3A_18 = vector.load %arg4[%swap3A_16, %swap3A_17] : memref<400x128xf32, #tpu.memory_space<vmem>>, vector<400x128xf32>
    tpu.vector_store %arg4[%swap3A_16, %swap3A_17], %mul3A_15 {strides = array<i32>} : memref<400x128xf32, #tpu.memory_space<vmem>>, vector<400x128xf32>,
    return
  }
  func.func @transform_0(%arg0: i32) -> (i32, i32, i32) {
    %c0_i32 = arith.constant 0 : i32
    %c0_i32_0 = arith.constant 0 : i32
    %c0_i32_1 = arith.constant 0 : i32
    return %c0_i32, %arg0, %c0_i32_0 : i32, i32, i32
  }
  func.func @transform_1(%arg0: i32) -> (i32, i32) {
    %c0_i32 = arith.constant 0 : i32
    %c0_i32_0 = arith.constant 0 : i32
    return %arg0, %c0_i32 : i32, i32
  }
  func.func @transform_2(%arg0: i32) -> (i32, i32) {
    %c0_i32 = arith.constant 0 : i32
    %c0_i32_0 = arith.constant 0 : i32
    %c0_i32_1 = arith.constant 0 : i32
    return %c0_i32, %c0_i32_0 : i32, i32
  }
  func.func @transform_3(%arg0: i32) -> (i32, i32) {
    %c0_i32 = arith.constant 0 : i32
    %c0_i32_0 = arith.constant 0 : i32
    return %arg0, %c0_i32 : i32, i32
  }
  func.func @transform_4(%arg0: i32) -> (i32, i32) {
    %c0_i32 = arith.constant 0 : i32
    %c0_i32_0 = arith.constant 0 : i32
    return %arg0, %c0_i32 : i32, i32
  }
}

module attributes {stable_mosaic.version = 14 : i64} {
  func.func @_final_body(%arg0: i32, %arg1: memref<2x400x128xf32, #tpu.memory_space<vmem>>, %arg2: memref<400x128xf32, #tpu.memory_space<vmem>>, %arg3: memref<400x1xf32, #tpu.memory_space<vmem>>, %arg4: memref<1x128xf32, #tpu.memory_space<vmem>>, %arg5: memref<1x1x400xi32, #tpu.memory_space<vmem>>, %arg6: memref<1x128xf32, #tpu.memory_space<vmem>>, %arg7: memref<1x128xf32, #tpu.memory_space<vmem>>, %arg8: memref<128x128xf32, #tpu.memory_space<vmem>>, %arg9: memref<1x128xf32, #tpu.memory_space<vmem>>, %arg10: memref<128x1xf32, #tpu.memory_space<vmem>>, %arg11: memref<1x1xf32, #tpu.memory_space<vmem>>, %arg12: memref<64x1xf32, #tpu.memory_space<vmem>>, %arg13: memref<1x128xf32, #tpu.memory_space<vmem>>, %arg14: memref<1x128xf32, #tpu.memory_space<vmem>>, %arg15: memref<64x128xf32, #tpu.memory_space<vmem>>, %arg16: memref<64x1xf32, #tpu.memory_space<vmem>>) attributes {dimension_semantics = [#tpu.dimension_semantics<arbitrary>], iteration_bounds = array<i64: 25>, scalar_prefetch = 0 : i64, scratch_operands = 4 : i64, tpu.core_type = #tpu.core_type<tc>, window_params = [{transform_indices = @transform_0, window_bounds = array<i64: 2, 400, 128>}, {transform_indices = @transform_1, window_bounds = array<i64: 400, 128>}, {transform_indices = @transform_2, window_bounds = array<i64: 400, 1>}, {pipeline_mode = #tpu.pipeline_mode<synchronous>, transform_indices = @transform_3, window_bounds = array<i64: 1, 128>}, {transform_indices = @transform_4, window_bounds = array<i64: 1, 1, 400>}, {pipeline_mode = #tpu.pipeline_mode<synchronous>, transform_indices = @transform_5, window_bounds = array<i64: 1, 128>}, {pipeline_mode = #tpu.pipeline_mode<synchronous>, transform_indices = @transform_6, window_bounds = array<i64: 1, 128>}, {pipeline_mode = #tpu.pipeline_mode<synchronous>, transform_indices = @transform_7, window_bounds = array<i64: 128, 128>}, {pipeline_mode = #tpu.pipeline_mode<synchronous>, transform_indices = @transform_8, window_bounds = array<i64: 1, 128>}, {pipeline_mode = #tpu.pipeline_mode<synchronous>, transform_indices = @transform_9, window_bounds = array<i64: 128, 1>}, {pipeline_mode = #tpu.pipeline_mode<synchronous>, transform_indices = @transform_10, window_bounds = array<i64: 1, 1>}, {pipeline_mode = #tpu.pipeline_mode<synchronous>, transform_indices = @transform_11, window_bounds = array<i64: 64, 1>}]} {
    %get3A = arith.constant 0 : index
    %get3A_0 = arith.constant 0 : index
    %get3A_1 = arith.constant 0 : index
    %get3A_2 = vector.load %arg1[%get3A, %get3A_0, %get3A_1] : memref<2x400x128xf32, #tpu.memory_space<vmem>>, vector<2x400x128xf32>
    %slice3A = vector.extract_strided_slice %get3A_2 {offsets = [0, 0, 0], sizes = [1, 400, 128], strides = [1, 1, 1]} : vector<2x400x128xf32> to vector<1x400x128xf32>
    %squeeze3A = vector.shape_cast %slice3A : vector<1x400x128xf32> to vector<400x128xf32>
    %slice3A_3 = vector.extract_strided_slice %get3A_2 {offsets = [1, 0, 0], sizes = [1, 400, 128], strides = [1, 1, 1]} : vector<2x400x128xf32> to vector<1x400x128xf32>
    %squeeze3A_4 = vector.shape_cast %slice3A_3 : vector<1x400x128xf32> to vector<400x128xf32>
    %add3A = arith.addf %squeeze3A, %squeeze3A_4 : vector<400x128xf32>
    %get3A_5 = arith.constant 0 : index
    %get3A_6 = arith.constant 0 : index
    %get3A_7 = vector.load %arg2[%get3A_5, %get3A_6] : memref<400x128xf32, #tpu.memory_space<vmem>>, vector<400x128xf32>
    %add3A_8 = arith.addf %add3A, %get3A_7 : vector<400x128xf32>
    %get3A_9 = arith.constant 0 : index
    %get3A_10 = arith.constant 0 : index
    %get3A_11 = vector.load %arg3[%get3A_9, %get3A_10] : memref<400x1xf32, #tpu.memory_space<vmem>>, vector<400x1xf32>
    %mul3A = vector.broadcast %get3A_11 : vector<400x1xf32> to vector<400x128xf32>
    %mul3A_12 = arith.mulf %add3A_8, %mul3A : vector<400x128xf32>
    %get3A_13 = arith.constant 0 : index
    %get3A_14 = arith.constant 0 : index
    %get3A_15 = vector.load %arg4[%get3A_13, %get3A_14] : memref<1x128xf32, #tpu.memory_space<vmem>>, vector<1x128xf32>
    %add3A_16 = vector.broadcast %get3A_15 : vector<1x128xf32> to vector<400x128xf32>
    %add3A_17 = arith.addf %mul3A_12, %add3A_16 : vector<400x128xf32>
    %get3A_18 = arith.constant 0 : index
    %get3A_19 = arith.constant 0 : index
    %get3A_20 = arith.constant 0 : index
    %get3A_21 = vector.load %arg5[%get3A_18, %get3A_19, %get3A_20] : memref<1x1x400xi32, #tpu.memory_space<vmem>>, vector<1x1x400xi32>
    %reshape3A = vector.shape_cast %get3A_21 : vector<1x1x400xi32> to vector<1x400xi32>
    %iota3A = tpu.iota {dimensions = array<i32: 0>} : vector<64x400xi32>
    %eq3A = vector.broadcast %reshape3A : vector<1x400xi32> to vector<64x400xi32>
    %eq3A_22 = arith.cmpi eq, %eq3A, %iota3A : vector<64x400xi32>
    %convert_element_type3A = arith.extui %eq3A_22 : vector<64x400xi1> to vector<64x400xi32>
    %convert_element_type3A_23 = arith.sitofp %convert_element_type3A : vector<64x400xi32> to vector<64x400xf32>
    %dot_general3A = arith.constant dense<0.000000e+00> : vector<64x128xf32>
    %dot_general3A_24 = tpu.matmul %convert_element_type3A_23, %add3A_17, %dot_general3A {dimension_numbers = #tpu.dot_dimension_numbers<[1], [0], [0], [1], [0, 0, 1, 1], [], []>, precision = #tpu.contract_precision<fp32>, transpose_lhs_hint = false} : vector<64x400xf32>, vector<400x128xf32>, vector<64x128xf32> -> vector<64x128xf32>
    %reduce_sum3A = arith.constant dense<0.000000e+00> : vector<64xf32>
    %reduce_sum3A_25 = vector.multi_reduction <add>, %convert_element_type3A_23, %reduce_sum3A [1] : vector<64x400xf32> to vector<64xf32>
    %broadcast_in_dim3A = vector.shape_cast %reduce_sum3A_25 : vector<64xf32> to vector<64x1xf32>
    %reduce_sum3A_26 = arith.constant dense<0.000000e+00> : vector<128xf32>
    %reduce_sum3A_27 = vector.multi_reduction <add>, %add3A_17, %reduce_sum3A_26 [0] : vector<400x128xf32> to vector<128xf32>
    %broadcast_in_dim3A_28 = vector.shape_cast %reduce_sum3A_27 : vector<128xf32> to vector<1x128xf32>
    %mul3A_29 = arith.mulf %add3A_17, %add3A_17 : vector<400x128xf32>
    %reduce_sum3A_30 = arith.constant dense<0.000000e+00> : vector<128xf32>
    %reduce_sum3A_31 = vector.multi_reduction <add>, %mul3A_29, %reduce_sum3A_30 [0] : vector<400x128xf32> to vector<128xf32>
    %broadcast_in_dim3A_32 = vector.shape_cast %reduce_sum3A_31 : vector<128xf32> to vector<1x128xf32>
    %eq3A_33 = arith.constant 0 : i32
    %eq3A_34 = arith.cmpi eq, %arg0, %eq3A_33 : i32
    %convert_element_type3A_35 = arith.extui %eq3A_34 : i1 to i32
    %cond3A = arith.constant 0 : i32
    %cond3A_36 = arith.cmpi ne, %convert_element_type3A_35, %cond3A : i32
    scf.if %cond3A_36 {
      %swap3A = arith.constant 0 : index
      %swap3A_46 = arith.constant 0 : index
      %swap3A_47 = vector.load %arg13[%swap3A, %swap3A_46] : memref<1x128xf32, #tpu.memory_space<vmem>>, vector<1x128xf32>
      tpu.vector_store %arg13[%swap3A, %swap3A_46], %broadcast_in_dim3A_28 {strides = array<i32>} : memref<1x128xf32, #tpu.memory_space<vmem>>, vector<1x128xf32>,
      %swap3A_48 = arith.constant 0 : index
      %swap3A_49 = arith.constant 0 : index
      %swap3A_50 = vector.load %arg14[%swap3A_48, %swap3A_49] : memref<1x128xf32, #tpu.memory_space<vmem>>, vector<1x128xf32>
      tpu.vector_store %arg14[%swap3A_48, %swap3A_49], %broadcast_in_dim3A_32 {strides = array<i32>} : memref<1x128xf32, #tpu.memory_space<vmem>>, vector<1x128xf32>,
      %swap3A_51 = arith.constant 0 : index
      %swap3A_52 = arith.constant 0 : index
      %swap3A_53 = vector.load %arg15[%swap3A_51, %swap3A_52] : memref<64x128xf32, #tpu.memory_space<vmem>>, vector<64x128xf32>
      tpu.vector_store %arg15[%swap3A_51, %swap3A_52], %dot_general3A_24 {strides = array<i32>} : memref<64x128xf32, #tpu.memory_space<vmem>>, vector<64x128xf32>,
      %swap3A_54 = arith.constant 0 : index
      %swap3A_55 = arith.constant 0 : index
      %swap3A_56 = vector.load %arg16[%swap3A_54, %swap3A_55] : memref<64x1xf32, #tpu.memory_space<vmem>>, vector<64x1xf32>
      tpu.vector_store %arg16[%swap3A_54, %swap3A_55], %broadcast_in_dim3A {strides = array<i32>} : memref<64x1xf32, #tpu.memory_space<vmem>>, vector<64x1xf32>,
    } else {
    }
    %gt3A = arith.constant 0 : i32
    %gt3A_37 = arith.cmpi sgt, %arg0, %gt3A : i32
    %convert_element_type3A_38 = arith.extui %gt3A_37 : i1 to i32
    %cond3A_39 = arith.constant 0 : i32
    %cond3A_40 = arith.cmpi ne, %convert_element_type3A_38, %cond3A_39 : i32
    scf.if %cond3A_40 {
      %get3A_46 = arith.constant 0 : index
      %get3A_47 = arith.constant 0 : index
      %get3A_48 = vector.load %arg13[%get3A_46, %get3A_47] : memref<1x128xf32, #tpu.memory_space<vmem>>, vector<1x128xf32>
      %add3A_49 = arith.addf %get3A_48, %broadcast_in_dim3A_28 : vector<1x128xf32>
      %swap3A = arith.constant 0 : index
      %swap3A_50 = arith.constant 0 : index
      %swap3A_51 = vector.load %arg13[%swap3A, %swap3A_50] : memref<1x128xf32, #tpu.memory_space<vmem>>, vector<1x128xf32>
      tpu.vector_store %arg13[%swap3A, %swap3A_50], %add3A_49 {strides = array<i32>} : memref<1x128xf32, #tpu.memory_space<vmem>>, vector<1x128xf32>,
      %get3A_52 = arith.constant 0 : index
      %get3A_53 = arith.constant 0 : index
      %get3A_54 = vector.load %arg14[%get3A_52, %get3A_53] : memref<1x128xf32, #tpu.memory_space<vmem>>, vector<1x128xf32>
      %add3A_55 = arith.addf %get3A_54, %broadcast_in_dim3A_32 : vector<1x128xf32>
      %swap3A_56 = arith.constant 0 : index
      %swap3A_57 = arith.constant 0 : index
      %swap3A_58 = vector.load %arg14[%swap3A_56, %swap3A_57] : memref<1x128xf32, #tpu.memory_space<vmem>>, vector<1x128xf32>
      tpu.vector_store %arg14[%swap3A_56, %swap3A_57], %add3A_55 {strides = array<i32>} : memref<1x128xf32, #tpu.memory_space<vmem>>, vector<1x128xf32>,
      %get3A_59 = arith.constant 0 : index
      %get3A_60 = arith.constant 0 : index
      %get3A_61 = vector.load %arg15[%get3A_59, %get3A_60] : memref<64x128xf32, #tpu.memory_space<vmem>>, vector<64x128xf32>
      %add3A_62 = arith.addf %get3A_61, %dot_general3A_24 : vector<64x128xf32>
      %swap3A_63 = arith.constant 0 : index
      %swap3A_64 = arith.constant 0 : index
      %swap3A_65 = vector.load %arg15[%swap3A_63, %swap3A_64] : memref<64x128xf32, #tpu.memory_space<vmem>>, vector<64x128xf32>
      tpu.vector_store %arg15[%swap3A_63, %swap3A_64], %add3A_62 {strides = array<i32>} : memref<64x128xf32, #tpu.memory_space<vmem>>, vector<64x128xf32>,
      %get3A_66 = arith.constant 0 : index
      %get3A_67 = arith.constant 0 : index
      %get3A_68 = vector.load %arg16[%get3A_66, %get3A_67] : memref<64x1xf32, #tpu.memory_space<vmem>>, vector<64x1xf32>
      %add3A_69 = arith.addf %get3A_68, %broadcast_in_dim3A : vector<64x1xf32>
      %swap3A_70 = arith.constant 0 : index
      %swap3A_71 = arith.constant 0 : index
      %swap3A_72 = vector.load %arg16[%swap3A_70, %swap3A_71] : memref<64x1xf32, #tpu.memory_space<vmem>>, vector<64x1xf32>
      tpu.vector_store %arg16[%swap3A_70, %swap3A_71], %add3A_69 {strides = array<i32>} : memref<64x1xf32, #tpu.memory_space<vmem>>, vector<64x1xf32>,
    } else {
    }
    %eq3A_41 = arith.constant 24 : i32
    %eq3A_42 = arith.cmpi eq, %arg0, %eq3A_41 : i32
    %convert_element_type3A_43 = arith.extui %eq3A_42 : i1 to i32
    %cond3A_44 = arith.constant 0 : i32
    %cond3A_45 = arith.cmpi ne, %convert_element_type3A_43, %cond3A_44 : i32
    scf.if %cond3A_45 {
      %get3A_46 = arith.constant 0 : index
      %get3A_47 = arith.constant 0 : index
      %get3A_48 = vector.load %arg13[%get3A_46, %get3A_47] : memref<1x128xf32, #tpu.memory_space<vmem>>, vector<1x128xf32>
      %mul3A_49 = arith.constant 9.99999974E-5 : f32
      %mul3A_50 = vector.broadcast %mul3A_49 : f32 to vector<1x128xf32>
      %mul3A_51 = arith.mulf %get3A_48, %mul3A_50 : vector<1x128xf32>
      %get3A_52 = arith.constant 0 : index
      %get3A_53 = arith.constant 0 : index
      %get3A_54 = vector.load %arg14[%get3A_52, %get3A_53] : memref<1x128xf32, #tpu.memory_space<vmem>>, vector<1x128xf32>
      %mul3A_55 = arith.constant 9.99999974E-5 : f32
      %mul3A_56 = vector.broadcast %mul3A_55 : f32 to vector<1x128xf32>
      %mul3A_57 = arith.mulf %get3A_54, %mul3A_56 : vector<1x128xf32>
      %mul3A_58 = arith.mulf %mul3A_51, %mul3A_51 : vector<1x128xf32>
      %sub3A = arith.subf %mul3A_57, %mul3A_58 : vector<1x128xf32>
      %get3A_59 = arith.constant 0 : index
      %get3A_60 = arith.constant 0 : index
      %get3A_61 = vector.load %arg6[%get3A_59, %get3A_60] : memref<1x128xf32, #tpu.memory_space<vmem>>, vector<1x128xf32>
      %add3A_62 = arith.constant 9.99999974E-6 : f32
      %add3A_63 = vector.broadcast %add3A_62 : f32 to vector<1x128xf32>
      %add3A_64 = arith.addf %sub3A, %add3A_63 : vector<1x128xf32>
      %rsqrt3A = math.rsqrt %add3A_64 : vector<1x128xf32>
      %mul3A_65 = arith.mulf %get3A_61, %rsqrt3A : vector<1x128xf32>
      %get3A_66 = arith.constant 0 : index
      %get3A_67 = arith.constant 0 : index
      %get3A_68 = vector.load %arg15[%get3A_66, %get3A_67] : memref<64x128xf32, #tpu.memory_space<vmem>>, vector<64x128xf32>
      %get3A_69 = arith.constant 0 : index
      %get3A_70 = arith.constant 0 : index
      %get3A_71 = vector.load %arg16[%get3A_69, %get3A_70] : memref<64x1xf32, #tpu.memory_space<vmem>>, vector<64x1xf32>
      %max3A = arith.constant 1.000000e+00 : f32
      %max3A_72 = vector.broadcast %max3A : f32 to vector<64x1xf32>
      %max3A_73 = arith.maximumf %get3A_71, %max3A_72 : vector<64x1xf32>
      %div3A = vector.broadcast %max3A_73 : vector<64x1xf32> to vector<64x128xf32>
      %div3A_74 = arith.divf %get3A_68, %div3A : vector<64x128xf32>
      %sub3A_75 = vector.broadcast %mul3A_51 : vector<1x128xf32> to vector<64x128xf32>
      %sub3A_76 = arith.subf %div3A_74, %sub3A_75 : vector<64x128xf32>
      %mul3A_77 = vector.broadcast %mul3A_65 : vector<1x128xf32> to vector<64x128xf32>
      %mul3A_78 = arith.mulf %sub3A_76, %mul3A_77 : vector<64x128xf32>
      %get3A_79 = arith.constant 0 : index
      %get3A_80 = arith.constant 0 : index
      %get3A_81 = vector.load %arg7[%get3A_79, %get3A_80] : memref<1x128xf32, #tpu.memory_space<vmem>>, vector<1x128xf32>
      %add3A_82 = vector.broadcast %get3A_81 : vector<1x128xf32> to vector<64x128xf32>
      %add3A_83 = arith.addf %mul3A_78, %add3A_82 : vector<64x128xf32>
      %get3A_84 = arith.constant 0 : index
      %get3A_85 = arith.constant 0 : index
      %get3A_86 = vector.load %arg8[%get3A_84, %get3A_85] : memref<128x128xf32, #tpu.memory_space<vmem>>, vector<128x128xf32>
      %dot_general3A_87 = arith.constant dense<0.000000e+00> : vector<64x128xf32>
      %dot_general3A_88 = tpu.matmul %add3A_83, %get3A_86, %dot_general3A_87 {dimension_numbers = #tpu.dot_dimension_numbers<[1], [0], [0], [1], [0, 0, 1, 1], [], []>, precision = #tpu.contract_precision<fp32>, transpose_lhs_hint = false} : vector<64x128xf32>, vector<128x128xf32>, vector<64x128xf32> -> vector<64x128xf32>
      %get3A_89 = arith.constant 0 : index
      %get3A_90 = arith.constant 0 : index
      %get3A_91 = vector.load %arg9[%get3A_89, %get3A_90] : memref<1x128xf32, #tpu.memory_space<vmem>>, vector<1x128xf32>
      %add3A_92 = vector.broadcast %get3A_91 : vector<1x128xf32> to vector<64x128xf32>
      %add3A_93 = arith.addf %dot_general3A_88, %add3A_92 : vector<64x128xf32>
      %max3A_94 = arith.constant 0.000000e+00 : f32
      %max3A_95 = vector.broadcast %max3A_94 : f32 to vector<64x128xf32>
      %max3A_96 = arith.maximumf %add3A_93, %max3A_95 : vector<64x128xf32>
      %get3A_97 = arith.constant 0 : index
      %get3A_98 = arith.constant 0 : index
      %get3A_99 = vector.load %arg10[%get3A_97, %get3A_98] : memref<128x1xf32, #tpu.memory_space<vmem>>, vector<128x1xf32>
      %dot_general3A_100 = arith.constant dense<0.000000e+00> : vector<64x1xf32>
      %dot_general3A_101 = tpu.matmul %max3A_96, %get3A_99, %dot_general3A_100 {dimension_numbers = #tpu.dot_dimension_numbers<[1], [0], [0], [1], [0, 0, 1, 1], [], []>, precision = #tpu.contract_precision<fp32>, transpose_lhs_hint = false} : vector<64x128xf32>, vector<128x1xf32>, vector<64x1xf32> -> vector<64x1xf32>
      %get3A_102 = arith.constant 0 : index
      %get3A_103 = arith.constant 0 : index
      %get3A_104 = vector.load %arg11[%get3A_102, %get3A_103] : memref<1x1xf32, #tpu.memory_space<vmem>>, vector<1x1xf32>
      %add3A_105 = vector.broadcast %get3A_104 : vector<1x1xf32> to vector<64x1xf32>
      %add3A_106 = arith.addf %dot_general3A_101, %add3A_105 : vector<64x1xf32>
      %swap3A = arith.constant 0 : index
      %swap3A_107 = arith.constant 0 : index
      %swap3A_108 = vector.load %arg12[%swap3A, %swap3A_107] : memref<64x1xf32, #tpu.memory_space<vmem>>, vector<64x1xf32>
      tpu.vector_store %arg12[%swap3A, %swap3A_107], %add3A_106 {strides = array<i32>} : memref<64x1xf32, #tpu.memory_space<vmem>>, vector<64x1xf32>,
    } else {
    }
    return
  }
  func.func @transform_0(%arg0: i32) -> (i32, i32, i32) {
    %c0_i32 = arith.constant 0 : i32
    %c0_i32_0 = arith.constant 0 : i32
    %c0_i32_1 = arith.constant 0 : i32
    return %c0_i32, %arg0, %c0_i32_0 : i32, i32, i32
  }
  func.func @transform_1(%arg0: i32) -> (i32, i32) {
    %c0_i32 = arith.constant 0 : i32
    %c0_i32_0 = arith.constant 0 : i32
    return %arg0, %c0_i32 : i32, i32
  }
  func.func @transform_2(%arg0: i32) -> (i32, i32) {
    %c0_i32 = arith.constant 0 : i32
    %c0_i32_0 = arith.constant 0 : i32
    return %arg0, %c0_i32 : i32, i32
  }
  func.func @transform_3(%arg0: i32) -> (i32, i32) {
    %c0_i32 = arith.constant 0 : i32
    %c0_i32_0 = arith.constant 0 : i32
    %c0_i32_1 = arith.constant 0 : i32
    return %c0_i32, %c0_i32_0 : i32, i32
  }
  func.func @transform_4(%arg0: i32) -> (i32, i32, i32) {
    %c0_i32 = arith.constant 0 : i32
    %c0_i32_0 = arith.constant 0 : i32
    %c0_i32_1 = arith.constant 0 : i32
    return %arg0, %c0_i32, %c0_i32_0 : i32, i32, i32
  }
  func.func @transform_5(%arg0: i32) -> (i32, i32) {
    %c0_i32 = arith.constant 0 : i32
    %c0_i32_0 = arith.constant 0 : i32
    %c0_i32_1 = arith.constant 0 : i32
    return %c0_i32, %c0_i32_0 : i32, i32
  }
  func.func @transform_6(%arg0: i32) -> (i32, i32) {
    %c0_i32 = arith.constant 0 : i32
    %c0_i32_0 = arith.constant 0 : i32
    %c0_i32_1 = arith.constant 0 : i32
    return %c0_i32, %c0_i32_0 : i32, i32
  }
  func.func @transform_7(%arg0: i32) -> (i32, i32) {
    %c0_i32 = arith.constant 0 : i32
    %c0_i32_0 = arith.constant 0 : i32
    %c0_i32_1 = arith.constant 0 : i32
    return %c0_i32, %c0_i32_0 : i32, i32
  }
  func.func @transform_8(%arg0: i32) -> (i32, i32) {
    %c0_i32 = arith.constant 0 : i32
    %c0_i32_0 = arith.constant 0 : i32
    %c0_i32_1 = arith.constant 0 : i32
    return %c0_i32, %c0_i32_0 : i32, i32
  }
  func.func @transform_9(%arg0: i32) -> (i32, i32) {
    %c0_i32 = arith.constant 0 : i32
    %c0_i32_0 = arith.constant 0 : i32
    %c0_i32_1 = arith.constant 0 : i32
    return %c0_i32, %c0_i32_0 : i32, i32
  }
  func.func @transform_10(%arg0: i32) -> (i32, i32) {
    %c0_i32 = arith.constant 0 : i32
    %c0_i32_0 = arith.constant 0 : i32
    %c0_i32_1 = arith.constant 0 : i32
    return %c0_i32, %c0_i32_0 : i32, i32
  }
  func.func @transform_11(%arg0: i32) -> (i32, i32) {
    %c0_i32 = arith.constant 0 : i32
    %c0_i32_0 = arith.constant 0 : i32
    %c0_i32_1 = arith.constant 0 : i32
    return %c0_i32, %c0_i32_0 : i32, i32
  }
}

</mosaic_0001>

<sc_bundles>
// kernel: kernel.11.cloned.1.call-start
scs
__scs_entry_jumppad:
0x0: {  	(pc) =	sbr.rel $0x88, $3  }
0x1: {  	(tag) =	ssettag $0x0;
	lr =	simm.s32 $0x1  }
0x2: {  	[smem:$0x3F94] =	sst lr;
	_ =	strace $0xD0000000  }
0x3: {  	_ = 	snop  }
0x4: {  	_ = 	snop  }
0x5: {  	_ = 	snop  }
0x6: {  	_ = 	snop  }
0x7: {  	_ = 	snop  }
__scs_overlays_trampoline_lowered:
0x8: {  	[smem:$0x3FA3] =	sst s0  }
0x9: {  	[smem:$0x3FA4] =	sst s1  }
0xa: {  	[smem:$0x3FA5] =	sst s2  }
0xb: {  	[smem:$0x3FA6] =	sst s3  }
0xc: {  	[smem:$0x3FA7] =	sst s4  }
0xd: {  	[smem:$0x3FA8] =	sst s5  }
0xe: {  	[smem:$0x3FA9] =	sst s6  }
0xf: {  	[smem:$0x3FAA] =	sst s7  }
0x10: {  	[smem:$0x3FAB] =	sst s8  }
0x11: {  	[smem:$0x3FAC] =	sst s9;
	s0 =	simm.s32 @!p0 $0x0  }
0x12: {  	s1 =	sld [smem:$0x3F92];
	s0 =	simm.s32 @p0 $0x1  }
0x13: {  	[smem:$0x3FAD] =	sst s0;
	s0 =	simm.s32 @!p1 $0x0  }
0x14: {  	s2 =	sld [smem:$0x3F91];
	s0 =	simm.s32 @p1 $0x1  }
0x15: {  	[smem:$0x3FAE] =	sst s0;
	s0 =	simm.s32 @!p2 $0x0  }
0x16: {  	s3 =	sld [smem:$0x3FDB];
	s0 =	simm.s32 @p2 $0x1  }
0x17: {  	s4 =	simm.s32 $0x1BF5;
	[smem:$0x3FB0] =	sst s0  }
0x18: {  	s0 =	sld [smem:$0x3F93];
	_ =	swait.ge [sflag:s4], $0x0  }
0x19: {  	s7 =	sld [smem:$0x3F94]  }
0x1a: {  	s8 =	sadd.s32 $0xFFFFE003, lr  }
0x1b: {  	s9 =	sadd.s32 $0xFFFFFEF7, lr;
	s5 =	simm.s32 $0xFFFFFFFF;
	p2 =	slt.u32 s8, $0xFFFFF086  }
0x1c: {  	p1 =	slt.u32 s9, $0xF7A;
	s5 =	simm.s32 @!p2 $0x0  }
0x1d: {  	s5 =	simm.s32 @p1 $0x1;
	p0 =	seq.s32 s7, s2  }
0x1e: {  	s7 =	smul.u32 @!p0 $0xF7A, s2;
	p2 =	seq.s32 @!p0 s5, $0x0  }
0x1f: {  	s9 =	smul.u32 $0xF7A, s1;
	s8 =	simm.s32 @!p0 $0x1BF5;
	p2 =	por !p2, p0  }
0x20: {  	[sflag:s8] =	ssyncset.s32 @!p0 $0xFFFFF086;
	s6 =	sadd.s32 @!p0 s3, s7;
	s7 =	simm.s32 @!p0 $0x108  }
0x21: {  	s3 =	sadd.s32 s3, s9;
	s6 =	sadd.s32 @!p0 $0x88, s6;
	s7 =	simm.s32 @p2 $0x1082  }
0x22: {  	[simem:s7], [sflag:s8] =	dma.local @!p0 [hbm:s6], $0xF7A  }
0x23: {  	s9 =	sor.u32 $0xD0000000, s2;
	s6 =	simm.s32 $0x108;
	_ =	swait.ge @!p0 [sflag:s8], $0x0  }
0x24: {  	s3 =	sadd.s32 $0x88, s3;
	s6 =	simm.s32 @!p1 $0x1082;
	[sflag:s4] =	ssyncset.s32 $0xFFFFF086  }
0x25: {  	[simem:s6], [sflag:s4] =	dma.local [hbm:s3], $0xF7A  }
0x26: {  	[smem:$0x3F94] =	sst s1;
	(tag) =	ssettag s2;
	_ =	strace s9  }
0x27: {  	s1 =	sld [smem:$0x3FA4]  }
0x28: {  	s2 =	sld [smem:$0x3FA5]  }
0x29: {  	s4 =	sld [smem:$0x3FA7]  }
0x2a: {  	p0 =	seq.s32 s5, $0x0;
	s5 =	sld [smem:$0x3FA8]  }
0x2b: {  	s6 =	sld [smem:$0x3FA9]  }
0x2c: {  	s7 =	sld [smem:$0x3FAA]  }
0x2d: {  	s3 =	simm.s32 $0x108;
	s8 =	sld [smem:$0x3FAB]  }
0x2e: {  	s3 =	simm.s32 @!p0 $0x1082;
	s9 =	sld [smem:$0x3FAC]  }
0x2f: {  	lr =	sadd.s32 s0, s3;
	s0 =	sld [smem:$0x3FA3]  }
0x30: {  	s3 =	sld [smem:$0x3FA6]  }
0x31: {  	[smem:$0x3FAF] =	sst s10  }
0x32: {  	s10 =	sld [smem:$0x3FAD];
	_ =	sdelay $0x3  }
0x33: {  	p0 =	seq.s32 s10, $0x1;
	s10 =	sld [smem:$0x3FAF];
	_ =	sdelay $0x3  }
0x34: {  	[smem:$0x3FAF] =	sst s10  }
0x35: {  	s10 =	sld [smem:$0x3FAE];
	_ =	sdelay $0x3  }
0x36: {  	p1 =	seq.s32 s10, $0x1;
	s10 =	sld [smem:$0x3FAF];
	_ =	sdelay $0x3  }
0x37: {  	[smem:$0x3FAF] =	sst s10  }
0x38: {  	s10 =	sld [smem:$0x3FB0]  }
0x39: {  	_ = 	snop;
	(pc) =	sbr.ind lr, $3  }
0x3a: {  	_ = 	snop  }
0x3b: {  	_ = 	snop  }
0x3c: {  	p2 =	seq.s32 s10, $0x1;
	s10 =	sld [smem:$0x3FAF]  }
0x3d: {  	_ =	shalt  }
0x3e: {  	_ =	shalt  }
0x3f: {  	_ =	shalt  }
0x40: {  	_ =	shalt  }
0x41: {  	_ =	shalt  }
0x42: {  	_ =	shalt  }
0x43: {  	_ =	shalt  }
0x44: {  	_ =	shalt  }
0x45: {  	_ =	shalt  }
0x46: {  	_ =	shalt  }
0x47: {  	_ =	shalt  }
0x48: {  	_ =	shalt  }
0x49: {  	_ =	shalt  }
0x4a: {  	_ =	shalt  }
0x4b: {  	_ =	shalt  }
0x4c: {  	_ =	shalt  }
0x4d: {  	_ =	shalt  }
0x4e: {  	_ =	shalt  }
0x4f: {  	_ =	shalt  }
0x50: {  	_ =	shalt  }
0x51: {  	_ =	shalt  }
0x52: {  	_ =	shalt  }
0x53: {  	_ =	shalt  }
0x54: {  	_ =	shalt  }
0x55: {  	_ =	shalt  }
0x56: {  	_ =	shalt  }
0x57: {  	_ =	shalt  }
0x58: {  	_ =	shalt  }
0x59: {  	_ =	shalt  }
0x5a: {  	_ =	shalt  }
0x5b: {  	_ =	shalt  }
0x5c: {  	_ =	shalt  }
0x5d: {  	_ =	shalt  }
0x5e: {  	_ =	shalt  }
0x5f: {  	_ =	shalt  }
0x60: {  	_ =	shalt  }
0x61: {  	_ =	shalt  }
0x62: {  	_ =	shalt  }
0x63: {  	_ =	shalt  }
0x64: {  	_ =	shalt  }
0x65: {  	_ =	shalt  }
0x66: {  	_ =	shalt  }
0x67: {  	_ =	shalt  }
0x68: {  	_ =	shalt  }
0x69: {  	_ =	shalt  }
0x6a: {  	_ =	shalt  }
0x6b: {  	_ =	shalt  }
0x6c: {  	_ =	shalt  }
0x6d: {  	_ =	shalt  }
0x6e: {  	_ =	shalt  }
0x6f: {  	_ =	shalt  }
0x70: {  	_ =	shalt  }
0x71: {  	_ =	shalt  }
0x72: {  	_ =	shalt  }
0x73: {  	_ =	shalt  }
0x74: {  	_ =	shalt  }
0x75: {  	_ =	shalt  }
0x76: {  	_ =	shalt  }
0x77: {  	_ =	shalt  }
0x78: {  	_ =	shalt  }
0x79: {  	_ =	shalt  }
0x7a: {  	_ =	shalt  }
0x7b: {  	_ =	shalt  }
0x7c: {  	_ =	shalt  }
0x7d: {  	_ =	shalt  }
0x7e: {  	_ =	shalt  }
0x7f: {  	_ =	shalt  }
0x80: {  	_ =	shalt  }
0x81: {  	_ =	shalt  }
0x82: {  	_ =	shalt  }
0x83: {  	_ =	shalt  }
0x84: {  	_ =	shalt  }
0x85: {  	_ =	shalt  }
0x86: {  	_ =	shalt  }
0x87: {  	_ =	shalt  }
.Lfunc_end0:
.L_simem_size_0:
called_computation.1_lowered:
.L_overlay_start_0:
0x88: {  	s2 =	sld [smem:$0x3FD9]  }
0x89: {  	s3 =	sld [smem:$0x3FFE];
	_ =	sdelay $0x1  }
0x8a: {  	s1 =	srdreg.scid  }
0x8b: {  	s0 =	sand.u32 $0x1, s1  }
0x8c: {  	s16 =	sshll.u32 s0, $0xA;
	s2 =	sadd.s32 s3, s2  }
0x8d: {  	s2 =	sadd.s32 s2, s16  }
0x8e: {  	[smem:$0x3FBB] =	sst s2  }
0x8f: {  	_ = 	snop  }
0x90: {  	(tm) =	ssettm $0x1  }
0x91: {  	s17 =	sld [smem:$0x3FFB];
	_ =	sdelay $0x3  }
0x92: {  	_ =	strace s17  }
0x93: {  	s2 =	sld [smem:$0x3FFC];
	_ =	sdelay $0x3  }
0x94: {  	_ =	strace s2  }
0x95: {  	s2 =	sld [smem:$0x3FFD];
	_ =	sdelay $0x3  }
0x96: {  	_ =	strace s2  }
0x97: {  	_ =	strace $0x8FFFFFFF  }
0x98: {  	s18 =	sld [smem:$0x3FDB];
	_ =	sdelay $0x1  }
0x99: {  	s19 =	simm.s32 $_scs_section_size  }
0x9a: {  	s4 =	simm.s32 $_size__tile_overlayer_lowered;
	s5 =	simm.s32 $_tile_overlayer_lowered  }
0x9b: {  	s22 =	simm.s32 $0x1BFF;
	s21 =	sshll.u32 s5, $0x1;
	s2 =	sadd.s32 s19, s18  }
0x9c: {  	s6 =	simm.s32 $0x0;
	s20 =	sshll.u32 s4, $0x1;
	s4 =	sadd.s32 s21, s2  }
0x9d: {  	[timem:s6], [sflag:s22] =	dma.local [hbm:s4], s20  }
0x9e: {  	_ =	swait.ge [sflag:s22], s20  }
0x9f: {  	s3 =	ssub.s32 $0x0, s20;
	[sflag:s22] =	ssyncset.done $0x0  }
0xa0: {  	[sflag:s22] =	ssyncadd.s32 s3;
	_ =	sdelay $0x1  }
0xa1: {  	s23 =	simm.s32 $0x1B8B  }
0xa2: {  	_ =	swait.ge [sflag:s23], $0x1  }
0xa3: {  	[sflag:s23] =	ssyncset.done $0x0  }
0xa4: {  	s25 =	simm.s32 $0x1B8E;
	s24 =	sld [smem:$0x3FFE];
	[sflag:s23] =	ssyncadd.s32 $0xFFFFFFFF  }
0xa5: {  	s26 =	simm.s32 $execute0_lowered;
	[smem:$0x3FD2] =	sst s25  }
0xa6: {  	s4 =	sshll.u32 s26, $0x1;
	_ =	strace $0x80000049;
	[dreg:$0x1] =	wrdreg $0xFFFFFFFF  }
0xa7: {  	s28 =	simm.s32 $_size_execute0_lowered;
	s2 =	sadd.s32 s2, s4;
	[dreg:$0x0] =	wrdreg $0x0  }
0xa8: {  	s4 =	sshll.u32 s28, $0x1;
	[dreg:$0x2] =	wrdreg s2  }
0xa9: {  	[dreg:$0x3] =	wrdreg s4  }
0xaa: {  	[dreg:$0x4] =	wrdreg $0xC0  }
0xab: {  	_ =	task [dreg:s6], $0x5FFFF  }
0xac: {  	[dreg:$0x1] =	wrdreg $0xFFFFFFFF  }
0xad: {  	[dreg:$0x0] =	wrdreg $0x60  }
0xae: {  	[dreg:$0x2] =	wrdreg s24  }
0xaf: {  	[dreg:$0x3] =	wrdreg $0x49000  }
0xb0: {  	[dreg:$0x4] =	wrdreg $0x9  }
0xb1: {  	_ =	task.clear_ibuf [dreg:s6], $0x5FFFF;
	_ =	strace $0x90000049  }
0xb2: {  	s29 =	simm.s32 $0x9;
	_ =	strace $0x8000004B  }
0xb3: {  	_ =	swait.ge [sflag:s29], $0x1  }
0xb4: {  	[sflag:s29] =	ssyncadd.s32 $0xFFFFFFFF  }
0xb5: {  	_ =	strace $0x9000004B  }
0xb6: {  	_ =	sfence  }
0xb7: {  	s30 =	sld [smem:$0x0];
	_ =	sdelay $0x2  }
0xb8: {  	s31 =	sshll.u32 s1, $0xD;
	s1 =	sshrl.u32 s1, $0x2  }
0xb9: {  	s3 =	sand.u32 $0x4000, s31;
	s1 =	sadd.s32 s1, s30  }
0xba: {  	s0 =	sor.u32 s3, s0;
	s1 =	sshll.u32 s1, $0x11  }
0xbb: {  	s0 =	sor.u32 s1, s0  }
0xbc: {  	s0 =	sadd.s32 $0x8F2B, s0  }
0xbd: {  	[sflag:s0] =	ssyncadd.remote.s32 $0x1  }
0xbe: {  	_ =	sfence.sel $0xFFFF  }
0xbf: {  	[dreg:$0x0] =	wrdreg $0xFFFFFFFF;
	(pc) =	sbr.abs _section_cstart, $3  }
0xc0: {  	[dreg:$0x1] =	wrdreg $0xFFFFFFFF  }
0xc1: {  	_ =	task.clear_ibuf [dreg:s6], $0x2FFFF;
	_ =	strace $0x9FFFFFFF  }
0xc2: {  	(tm) =	ssettm $0x7FFFFFFF  }
0xc3: {  	_ =	shalt  }
tec
execute0_lowered:
.L_overlay_start_1:
0x0: {  	(tag) =	ssettag $0x1  }
0x1: {  	s7 =	rddreg [dreg:$0x0]  }
0x2: {  	s1 =	rddreg [dreg:$0x1];
	s3 =	srdreg.scid  }
0x3: {  	s0 =	rddreg [dreg:$0x2];
	s2 =	simm.s32 $0x0;
	s8 =	sand.u32 $0x1, s3  }
0x4: {  	s13 =	simm.s32 $0x80;
	s3 =	stileid.u32;
	s9 =	smul.u32 $0x27800, s8  }
0x5: {  	s14 =	simm.s32 $0x100;
	s18 =	simm.s32 $0x0;
	s10 =	smul.u32 $0x4F000, s3  }
0x6: {  	[smem:$0x7FF] =	sst s2;
	s4 =	sadd.s32 $0x3400, s7;
	s29 =	smul.u32 $0x5000, s8  }
0x7: {  	s5 =	sadd.s32 $0x67C00, s7;
	s6 =	sadd.s32 $0x5DC00, s7;
	s12 =	smul.u32 $0x500, s3  }
0x8: {  	_ =	strace $0x8000004A;
	s11 =	ssub.s32 $0x2, s8;
	s16 =	smul.u32 $0x2780, s3  }
0x9: {  	s31 =	sshll.u32 s3, $0x6;
	s30 =	sshrl.u32 s11, $0x1;
	s9 =	sadd.s32 s9, s7  }
0xa: {  	s28 =	sshrl.u32 s10, $0x2;
	s11 =	ssub.s32 s11, s30;
	s10 =	sadd.s32 s12, s29  }
0xb: {  	s12 =	simm.s32 $0x1;
	s7 =	sadd.s32 s28, s1;
	s15 =	sadd.s32 $0x71C00, s9  }
0xc: {  	s9 =	smax.u32 s11, $0x1;
	s11 =	simm.s32 $0x4100;
	s8 =	sadd.s32 $0x13800, s7  }
0xd: {  	v0 =	vimm.f32 $0.0e+00;
	s15 =	sadd.s32 s16, s15;
	s16 =	sor.u32 $0x1C01, s31;
	s17 =	sshrl.u32 s7, $0x3  }
.LBB2_1:
0xe: {  	s19 =	simm.s32 $0x0;
	s20 =	simm.s32 $0x200  }
.LBB2_2:
0xf: {  	p0 =	sne.s32 s20, $0x1E00;
	[tilespmem:s19+$0x4170] =	vst v0  }
0x10: {  	[tilespmem:s19+$0x4100] =	vst v0  }
0x11: {  	[tilespmem:s19+$0x4110] =	vst v0  }
.Ltmp0:
0x12: {  	[tilespmem:s19+$0x4120] =	vst v0;
	(pc) =	sbr.rel @p0 .LBB2_2-.Ltmp0, $4  }
0x13: {  	[tilespmem:s19+$0x4130] =	vst v0  }
0x14: {  	[tilespmem:s19+$0x4140] =	vst v0  }
0x15: {  	[tilespmem:s19+$0x4150] =	vst v0  }
0x16: {  	[tilespmem:s19+$0x4160] =	vst v0;
	s19 =	sshra.s32 s20, $0x2;
	s20 =	sadd.s32 $0x200, s20  }
0x17: {  	[tilespmem:s19+$0x4170] =	vst v0  }
0x18: {  	[tilespmem:s19+$0x4100] =	vst v0  }
0x19: {  	[tilespmem:s19+$0x4110] =	vst v0  }
0x1a: {  	[tilespmem:s19+$0x4120] =	vst v0  }
0x1b: {  	[tilespmem:s19+$0x4130] =	vst v0  }
0x1c: {  	[tilespmem:s19+$0x4140] =	vst v0  }
0x1d: {  	[tilespmem:s19+$0x4150] =	vst v0  }
0x1e: {  	[tilespmem:s19+$0x4160] =	vst v0;
	s31 =	sadd.s32 $0x0, s7  }
0x1f: {  	[spmem:s31] =	stream.linear.scatter [tilespmem:s11], [sflag:$0x1], $0x800, $0x38;
	[tilespmem:$0x18500] =	vst v63  }
0x20: {  	s19 =	simm.s32 $0x2000;
	_ =	swait.ge [sflag:s12], $0x800  }
.LBB2_4:
0x21: {  	s20 =	sshra.s32 s19, $0x2;
	[sflag:s12] =	ssyncset.done $0x0;
	p0 =	sne.s32 s19, $0x4C000  }
.Ltmp1:
0x22: {  	s20 =	sadd.s32 s20, s7;
	[sflag:s12] =	ssyncadd.s32 $0xFFFFF800;
	(pc) =	sbr.rel @p0 .LBB2_4-.Ltmp1, $3  }
0x23: {  	[spmem:s20] =	stream.linear.scatter [tilespmem:s11], [sflag:$0x1], $0x800, $0x38;
	[tilespmem:$0x18500] =	vst v63  }
0x24: {  	s19 =	sadd.s32 $0x2000, s19;
	_ =	sdelay $0x1  }
0x25: {  	_ =	swait.ge [sflag:s12], $0x800  }
0x26: {  	[sflag:s12] =	ssyncset.done $0x0  }
0x27: {  	[sflag:s12] =	ssyncadd.s32 $0xFFFFF800  }
0x28: {  	[spmem:s8] =	stream.linear.scatter [tilespmem:s11], [sflag:$0x1], $0x400, $0x38;
	[tilespmem:$0x18500] =	vst v63  }
0x29: {  	s19 =	simm.s32 $0x0;
	s20 =	sadd.s32 $0x0, s10;
	_ =	swait.ge [sflag:s12], $0x400  }
0x2a: {  	s20 =	sand.u32 $0xFFFFF80, s20;
	s19 =	sand.u32 $0x70, s19;
	[sflag:s12] =	ssyncset.done $0x0  }
0x2b: {  	s19 =	sor.u32 s19, s20;
	[sflag:s12] =	ssyncadd.s32 $0xFFFFFC00  }
0x2c: {  	s20 =	sadd.s32 s5, s19;
	[bflag:$0x0] =	sbarrier.arrive $0xFFFF  }
0x2d: {  	[tilespmem:s2], [sflag:$0x1] =	stream.linear.gather [hbm4b:s20+s2], $0x80, $0x38;
	[tilespmem:$0x18500] =	vst v63  }
0x2e: {  	_ =	swait.ge [sflag:s12], $0x80  }
0x2f: {  	[sflag:s12] =	ssyncset.done $0x0  }
0x30: {  	s19 =	sadd.s32 s6, s19;
	[sflag:s12] =	ssyncadd.s32 $0xFFFFFF80  }
0x31: {  	[tilespmem:s13], [sflag:$0x1] =	stream.linear.gather [hbm4b:s19+s2], $0x80, $0x38;
	[tilespmem:$0x18500] =	vst v63  }
0x32: {  	_ =	swait.ge [sflag:s12], $0x80  }
0x33: {  	[sflag:s12] =	ssyncset.done $0x0  }
0x34: {  	[sflag:s12] =	ssyncadd.s32 $0xFFFFFF80  }
0x35: {  	[tilespmem:s14], [sflag:$0x1] =	stream.indirect.gather [hbm4b:s4+s13], $0x80, s2, s13, $0xb8;
	[tilespmem:$0x18500] =	vst v63  }
0x36: {  	_ =	swait.ge [sflag:s12], $0x4000  }
0x37: {  	[sflag:s12] =	ssyncset.done $0x0  }
0x38: {  	s30 =	simm.s32 $0x10;
	s31 =	sadd.s32 $0x10, s10;
	[sflag:s12] =	ssyncadd.s32 $0xFFFFC000  }
0x39: {  	[spmem:s1] =	stream.indirect.scatter.add.f32 [tilespmem:s14], [sflag:$0x1], $0x80, s13, s13, $0xb8;
	[tilespmem:$0x18500] =	vst v63  }
0x3a: {  	s21 =	sand.u32 $0xFFFFF80, s31;
	s19 =	sand.u32 $0x70, s30;
	_ =	swait.ge [sflag:s12], $0x4000  }
0x3b: {  	s20 =	simm.s32 $0x20;
	s19 =	sor.u32 s19, s21;
	[sflag:s12] =	ssyncset.done $0x0  }
.LBB2_6:
0x3c: {  	s21 =	sadd.s32 s5, s19  }
0x3d: {  	[sflag:s12] =	ssyncadd.s32 $0xFFFFC000;
	s22 =	smov.u32 s20;
	s23 =	sadd.s32 $0x10, s20  }
0x3e: {  	[tilespmem:s2], [sflag:$0x1] =	stream.linear.gather [hbm4b:s21+s2], $0x80, $0x38;
	[tilespmem:$0x18500] =	vst v63  }
0x3f: {  	p0 =	sne.s32 s20, $0x4F0;
	_ =	swait.ge [sflag:s12], $0x80  }
0x40: {  	[sflag:s12] =	ssyncset.done $0x0  }
0x41: {  	s19 =	sadd.s32 s6, s19;
	[sflag:s12] =	ssyncadd.s32 $0xFFFFFF80  }
0x42: {  	[tilespmem:s13], [sflag:$0x1] =	stream.linear.gather [hbm4b:s19+s2], $0x80, $0x38;
	[tilespmem:$0x18500] =	vst v63  }
0x43: {  	_ =	swait.ge [sflag:s12], $0x80  }
0x44: {  	[sflag:s12] =	ssyncset.done $0x0  }
0x45: {  	[sflag:s12] =	ssyncadd.s32 $0xFFFFFF80  }
0x46: {  	[tilespmem:s14], [sflag:$0x1] =	stream.indirect.gather [hbm4b:s4+s13], $0x80, s2, s13, $0xb8;
	[tilespmem:$0x18500] =	vst v63  }
0x47: {  	_ =	swait.ge [sflag:s12], $0x4000  }
.Ltmp2:
0x48: {  	[sflag:s12] =	ssyncset.done $0x0;
	(pc) =	sbr.rel @p0 .LBB2_6-.Ltmp2, $4  }
0x49: {  	s19 =	sadd.s32 s22, s10;
	[sflag:s12] =	ssyncadd.s32 $0xFFFFC000  }
0x4a: {  	[spmem:s1] =	stream.indirect.scatter.add.f32 [tilespmem:s14], [sflag:$0x1], $0x80, s13, s13, $0xb8;
	[tilespmem:$0x18500] =	vst v63  }
0x4b: {  	s20 =	sand.u32 $0x70, s22;
	s19 =	sand.u32 $0xFFFFF80, s19;
	_ =	swait.ge [sflag:s12], $0x4000  }
0x4c: {  	s19 =	sor.u32 s20, s19;
	s20 =	smov.u32 s23;
	[sflag:s12] =	ssyncset.done $0x0  }
0x4d: {  	s20 =	sadd.s32 s5, s19;
	[sflag:s12] =	ssyncadd.s32 $0xFFFFC000  }
0x4e: {  	[tilespmem:s2], [sflag:$0x1] =	stream.linear.gather [hbm4b:s20+s2], $0x80, $0x38;
	[tilespmem:$0x18500] =	vst v63  }
0x4f: {  	_ =	swait.ge [sflag:s12], $0x80  }
0x50: {  	[sflag:s12] =	ssyncset.done $0x0  }
0x51: {  	s31 =	sadd.s32 s6, s19;
	[sflag:s12] =	ssyncadd.s32 $0xFFFFFF80  }
0x52: {  	[tilespmem:s13], [sflag:$0x1] =	stream.linear.gather [hbm4b:s31+s2], $0x80, $0x38;
	[tilespmem:$0x18500] =	vst v63  }
0x53: {  	_ =	swait.ge [sflag:s12], $0x80  }
0x54: {  	[sflag:s12] =	ssyncset.done $0x0  }
0x55: {  	[sflag:s12] =	ssyncadd.s32 $0xFFFFFF80  }
0x56: {  	[tilespmem:s14], [sflag:$0x1] =	stream.indirect.gather [hbm4b:s4+s13], $0x80, s2, s13, $0xb8;
	[tilespmem:$0x18500] =	vst v63  }
0x57: {  	_ =	swait.ge [sflag:s12], $0x4000  }
0x58: {  	[sflag:s12] =	ssyncset.done $0x0  }
0x59: {  	[sflag:s12] =	ssyncadd.s32 $0xFFFFC000  }
0x5a: {  	[spmem:s1] =	stream.indirect.scatter.add.f32 [tilespmem:s14], [sflag:$0x1], $0x80, s13, s13, $0xb8;
	[tilespmem:$0x18500] =	vst v63  }
0x5b: {  	_ =	swait.ge [sflag:s12], $0x4000  }
0x5c: {  	s18 =	sadd.s32 $0x1, s18;
	[sflag:s12] =	ssyncset.done $0x0  }
0x5d: {  	p0 =	sne.s32 s18, s9;
	[sflag:s12] =	ssyncadd.s32 $0xFFFFC000  }
.Ltmp3:
0x5e: {  	[bflag:$0x0] =	sbarrier.arrive $0xFFFF;
	(pc) =	sbr.rel @p0 .LBB2_1-.Ltmp3, $4  }
0x5f: {  	[hbm:s15], [sflag:s16] =	dma.local [spmem:s17], $0x2780  }
0x60: {  	_ =	swait.ge [sflag:s12], $0x2780  }
0x61: {  	[sflag:s12] =	ssyncset.done $0x0  }
0x62: {  	[sflag:s12] =	ssyncadd.s32 $0xFFFFD880  }
0x63: {  	_ =	sfence.sel $0x180000  }
0x64: {  	[bflag:$0x0] =	sbarrier.arrive $0xFFFF  }
0x65: {  	p0 =	sne.s32 s3, $0x0;
	_ =	strace $0x9000004A  }
0x66: {  	s0 =	sadd.s32 @!p0 $0x100000, s0;
	[bflag:$0x2] =	sbarrier.arrive $0xFFFF  }
0x67: {  	[sflag:s0] =	ssyncadd.tile.s32 @!p0 $0x1;
	_ =	shalt  }
.Lfunc_end2:
_tile_overlayer_lowered:
.L_overlay_start_2:
0x68: {  	(tag) =	ssettag $0x2  }
0x69: {  	s0 =	rddreg [dreg:$0x0];
	s2 =	stileid.u32  }
0x6a: {  	s1 =	rddreg [dreg:$0x1];
	p0 =	sne.s32 s2, $0x0  }
0x6b: {  	s3 =	rddreg [dreg:$0x2];
	[bflag:$0x3] =	sbarrier.arrive $0xFFFF;
	s2 =	simm.s32 @!p0 $0x1C01  }
0x6c: {  	[timem:s3], [sflag:s2] =	dma.local @!p0 [hbm:s0], s1  }
0x6d: {  	s0 =	simm.s32 @!p0 $0x1  }
0x6e: {  	_ =	swait.ge @!p0 [sflag:s0], s1  }
0x6f: {  	s1 =	ssub.s32 @!p0 $0x0, s1;
	[sflag:s0] =	ssyncset.done @!p0 $0x0  }
0x70: {  	[sflag:s0] =	ssyncadd.s32 @!p0 s1  }
0x71: {  	[bflag:$0x3] =	sbarrier.arrive $0xFFFF  }
0x72: {  	_ =	shalt  }

// kernel: kernel.14.cloned.1.call-start
scs
__scs_entry_jumppad:
0x0: {  	(pc) =	sbr.rel $0x88, $3  }
0x1: {  	(tag) =	ssettag $0x0;
	lr =	simm.s32 $0x1  }
0x2: {  	[smem:$0x3F94] =	sst lr;
	_ =	strace $0xD0000000  }
0x3: {  	_ = 	snop  }
0x4: {  	_ = 	snop  }
0x5: {  	_ = 	snop  }
0x6: {  	_ = 	snop  }
0x7: {  	_ = 	snop  }
__scs_overlays_trampoline_lowered:
0x8: {  	[smem:$0x3FA3] =	sst s0  }
0x9: {  	[smem:$0x3FA4] =	sst s1  }
0xa: {  	[smem:$0x3FA5] =	sst s2  }
0xb: {  	[smem:$0x3FA6] =	sst s3  }
0xc: {  	[smem:$0x3FA7] =	sst s4  }
0xd: {  	[smem:$0x3FA8] =	sst s5  }
0xe: {  	[smem:$0x3FA9] =	sst s6  }
0xf: {  	[smem:$0x3FAA] =	sst s7  }
0x10: {  	[smem:$0x3FAB] =	sst s8  }
0x11: {  	[smem:$0x3FAC] =	sst s9;
	s0 =	simm.s32 @!p0 $0x0  }
0x12: {  	s1 =	sld [smem:$0x3F92];
	s0 =	simm.s32 @p0 $0x1  }
0x13: {  	[smem:$0x3FAD] =	sst s0;
	s0 =	simm.s32 @!p1 $0x0  }
0x14: {  	s2 =	sld [smem:$0x3F91];
	s0 =	simm.s32 @p1 $0x1  }
0x15: {  	[smem:$0x3FAE] =	sst s0;
	s0 =	simm.s32 @!p2 $0x0  }
0x16: {  	s3 =	sld [smem:$0x3FDB];
	s0 =	simm.s32 @p2 $0x1  }
0x17: {  	s4 =	simm.s32 $0x1BF5;
	[smem:$0x3FB0] =	sst s0  }
0x18: {  	s0 =	sld [smem:$0x3F93];
	_ =	swait.ge [sflag:s4], $0x0  }
0x19: {  	s7 =	sld [smem:$0x3F94]  }
0x1a: {  	s8 =	sadd.s32 $0xFFFFE003, lr  }
0x1b: {  	s9 =	sadd.s32 $0xFFFFFEF7, lr;
	s5 =	simm.s32 $0xFFFFFFFF;
	p2 =	slt.u32 s8, $0xFFFFF086  }
0x1c: {  	p1 =	slt.u32 s9, $0xF7A;
	s5 =	simm.s32 @!p2 $0x0  }
0x1d: {  	s5 =	simm.s32 @p1 $0x1;
	p0 =	seq.s32 s7, s2  }
0x1e: {  	s7 =	smul.u32 @!p0 $0xF7A, s2;
	p2 =	seq.s32 @!p0 s5, $0x0  }
0x1f: {  	s9 =	smul.u32 $0xF7A, s1;
	s8 =	simm.s32 @!p0 $0x1BF5;
	p2 =	por !p2, p0  }
0x20: {  	[sflag:s8] =	ssyncset.s32 @!p0 $0xFFFFF086;
	s6 =	sadd.s32 @!p0 s3, s7;
	s7 =	simm.s32 @!p0 $0x108  }
0x21: {  	s3 =	sadd.s32 s3, s9;
	s6 =	sadd.s32 @!p0 $0x88, s6;
	s7 =	simm.s32 @p2 $0x1082  }
0x22: {  	[simem:s7], [sflag:s8] =	dma.local @!p0 [hbm:s6], $0xF7A  }
0x23: {  	s9 =	sor.u32 $0xD0000000, s2;
	s6 =	simm.s32 $0x108;
	_ =	swait.ge @!p0 [sflag:s8], $0x0  }
0x24: {  	s3 =	sadd.s32 $0x88, s3;
	s6 =	simm.s32 @!p1 $0x1082;
	[sflag:s4] =	ssyncset.s32 $0xFFFFF086  }
0x25: {  	[simem:s6], [sflag:s4] =	dma.local [hbm:s3], $0xF7A  }
0x26: {  	[smem:$0x3F94] =	sst s1;
	(tag) =	ssettag s2;
	_ =	strace s9  }
0x27: {  	s1 =	sld [smem:$0x3FA4]  }
0x28: {  	s2 =	sld [smem:$0x3FA5]  }
0x29: {  	s4 =	sld [smem:$0x3FA7]  }
0x2a: {  	p0 =	seq.s32 s5, $0x0;
	s5 =	sld [smem:$0x3FA8]  }
0x2b: {  	s6 =	sld [smem:$0x3FA9]  }
0x2c: {  	s7 =	sld [smem:$0x3FAA]  }
0x2d: {  	s3 =	simm.s32 $0x108;
	s8 =	sld [smem:$0x3FAB]  }
0x2e: {  	s3 =	simm.s32 @!p0 $0x1082;
	s9 =	sld [smem:$0x3FAC]  }
0x2f: {  	lr =	sadd.s32 s0, s3;
	s0 =	sld [smem:$0x3FA3]  }
0x30: {  	s3 =	sld [smem:$0x3FA6]  }
0x31: {  	[smem:$0x3FAF] =	sst s10  }
0x32: {  	s10 =	sld [smem:$0x3FAD];
	_ =	sdelay $0x3  }
0x33: {  	p0 =	seq.s32 s10, $0x1;
	s10 =	sld [smem:$0x3FAF];
	_ =	sdelay $0x3  }
0x34: {  	[smem:$0x3FAF] =	sst s10  }
0x35: {  	s10 =	sld [smem:$0x3FAE];
	_ =	sdelay $0x3  }
0x36: {  	p1 =	seq.s32 s10, $0x1;
	s10 =	sld [smem:$0x3FAF];
	_ =	sdelay $0x3  }
0x37: {  	[smem:$0x3FAF] =	sst s10  }
0x38: {  	s10 =	sld [smem:$0x3FB0]  }
0x39: {  	_ = 	snop;
	(pc) =	sbr.ind lr, $3  }
0x3a: {  	_ = 	snop  }
0x3b: {  	_ = 	snop  }
0x3c: {  	p2 =	seq.s32 s10, $0x1;
	s10 =	sld [smem:$0x3FAF]  }
0x3d: {  	_ =	shalt  }
0x3e: {  	_ =	shalt  }
0x3f: {  	_ =	shalt  }
0x40: {  	_ =	shalt  }
0x41: {  	_ =	shalt  }
0x42: {  	_ =	shalt  }
0x43: {  	_ =	shalt  }
0x44: {  	_ =	shalt  }
0x45: {  	_ =	shalt  }
0x46: {  	_ =	shalt  }
0x47: {  	_ =	shalt  }
0x48: {  	_ =	shalt  }
0x49: {  	_ =	shalt  }
0x4a: {  	_ =	shalt  }
0x4b: {  	_ =	shalt  }
0x4c: {  	_ =	shalt  }
0x4d: {  	_ =	shalt  }
0x4e: {  	_ =	shalt  }
0x4f: {  	_ =	shalt  }
0x50: {  	_ =	shalt  }
0x51: {  	_ =	shalt  }
0x52: {  	_ =	shalt  }
0x53: {  	_ =	shalt  }
0x54: {  	_ =	shalt  }
0x55: {  	_ =	shalt  }
0x56: {  	_ =	shalt  }
0x57: {  	_ =	shalt  }
0x58: {  	_ =	shalt  }
0x59: {  	_ =	shalt  }
0x5a: {  	_ =	shalt  }
0x5b: {  	_ =	shalt  }
0x5c: {  	_ =	shalt  }
0x5d: {  	_ =	shalt  }
0x5e: {  	_ =	shalt  }
0x5f: {  	_ =	shalt  }
0x60: {  	_ =	shalt  }
0x61: {  	_ =	shalt  }
0x62: {  	_ =	shalt  }
0x63: {  	_ =	shalt  }
0x64: {  	_ =	shalt  }
0x65: {  	_ =	shalt  }
0x66: {  	_ =	shalt  }
0x67: {  	_ =	shalt  }
0x68: {  	_ =	shalt  }
0x69: {  	_ =	shalt  }
0x6a: {  	_ =	shalt  }
0x6b: {  	_ =	shalt  }
0x6c: {  	_ =	shalt  }
0x6d: {  	_ =	shalt  }
0x6e: {  	_ =	shalt  }
0x6f: {  	_ =	shalt  }
0x70: {  	_ =	shalt  }
0x71: {  	_ =	shalt  }
0x72: {  	_ =	shalt  }
0x73: {  	_ =	shalt  }
0x74: {  	_ =	shalt  }
0x75: {  	_ =	shalt  }
0x76: {  	_ =	shalt  }
0x77: {  	_ =	shalt  }
0x78: {  	_ =	shalt  }
0x79: {  	_ =	shalt  }
0x7a: {  	_ =	shalt  }
0x7b: {  	_ =	shalt  }
0x7c: {  	_ =	shalt  }
0x7d: {  	_ =	shalt  }
0x7e: {  	_ =	shalt  }
0x7f: {  	_ =	shalt  }
0x80: {  	_ =	shalt  }
0x81: {  	_ =	shalt  }
0x82: {  	_ =	shalt  }
0x83: {  	_ =	shalt  }
0x84: {  	_ =	shalt  }
0x85: {  	_ =	shalt  }
0x86: {  	_ =	shalt  }
0x87: {  	_ =	shalt  }
.Lfunc_end0:
.L_simem_size_0:
called_computation.2_lowered:
.L_overlay_start_0:
0x88: {  	s2 =	sld [smem:$0x3FD9]  }
0x89: {  	s3 =	sld [smem:$0x3FFE];
	_ =	sdelay $0x1  }
0x8a: {  	s1 =	srdreg.scid  }
0x8b: {  	s0 =	sand.u32 $0x1, s1  }
0x8c: {  	s16 =	sshll.u32 s0, $0xA;
	s2 =	sadd.s32 s3, s2  }
0x8d: {  	s2 =	sadd.s32 s2, s16  }
0x8e: {  	[smem:$0x3FBB] =	sst s2  }
0x8f: {  	_ = 	snop  }
0x90: {  	(tm) =	ssettm $0x1  }
0x91: {  	s17 =	sld [smem:$0x3FFB];
	_ =	sdelay $0x3  }
0x92: {  	_ =	strace s17  }
0x93: {  	s2 =	sld [smem:$0x3FFC];
	_ =	sdelay $0x3  }
0x94: {  	_ =	strace s2  }
0x95: {  	s2 =	sld [smem:$0x3FFD];
	_ =	sdelay $0x3  }
0x96: {  	_ =	strace s2  }
0x97: {  	_ =	strace $0x8FFFFFFF  }
0x98: {  	s18 =	sld [smem:$0x3FDB];
	_ =	sdelay $0x1  }
0x99: {  	s19 =	simm.s32 $_scs_section_size  }
0x9a: {  	s4 =	simm.s32 $_size__tile_overlayer_lowered;
	s5 =	simm.s32 $_tile_overlayer_lowered  }
0x9b: {  	s22 =	simm.s32 $0x1BFF;
	s21 =	sshll.u32 s5, $0x1;
	s2 =	sadd.s32 s19, s18  }
0x9c: {  	s6 =	simm.s32 $0x0;
	s20 =	sshll.u32 s4, $0x1;
	s4 =	sadd.s32 s21, s2  }
0x9d: {  	[timem:s6], [sflag:s22] =	dma.local [hbm:s4], s20  }
0x9e: {  	_ =	swait.ge [sflag:s22], s20  }
0x9f: {  	s3 =	ssub.s32 $0x0, s20;
	[sflag:s22] =	ssyncset.done $0x0  }
0xa0: {  	[sflag:s22] =	ssyncadd.s32 s3;
	_ =	sdelay $0x1  }
0xa1: {  	s23 =	simm.s32 $0x1B8B  }
0xa2: {  	_ =	swait.ge [sflag:s23], $0x1  }
0xa3: {  	[sflag:s23] =	ssyncset.done $0x0  }
0xa4: {  	s25 =	simm.s32 $0x1B8E;
	s24 =	sld [smem:$0x3FFE];
	[sflag:s23] =	ssyncadd.s32 $0xFFFFFFFF  }
0xa5: {  	s26 =	simm.s32 $execute0_lowered;
	[smem:$0x3FD2] =	sst s25  }
0xa6: {  	s4 =	sshll.u32 s26, $0x1;
	_ =	strace $0x8000004C;
	[dreg:$0x1] =	wrdreg $0xFFFFFFFF  }
0xa7: {  	s28 =	simm.s32 $_size_execute0_lowered;
	s2 =	sadd.s32 s2, s4;
	[dreg:$0x0] =	wrdreg $0x0  }
0xa8: {  	s4 =	sshll.u32 s28, $0x1;
	[dreg:$0x2] =	wrdreg s2  }
0xa9: {  	[dreg:$0x3] =	wrdreg s4  }
0xaa: {  	[dreg:$0x4] =	wrdreg $0xC0  }
0xab: {  	_ =	task [dreg:s6], $0x5FFFF  }
0xac: {  	[dreg:$0x1] =	wrdreg $0xFFFFFFFF  }
0xad: {  	[dreg:$0x0] =	wrdreg $0x60  }
0xae: {  	[dreg:$0x2] =	wrdreg s24  }
0xaf: {  	[dreg:$0x3] =	wrdreg $0x49000  }
0xb0: {  	[dreg:$0x4] =	wrdreg $0x9  }
0xb1: {  	_ =	task.clear_ibuf [dreg:s6], $0x5FFFF;
	_ =	strace $0x9000004C  }
0xb2: {  	s29 =	simm.s32 $0x9;
	_ =	strace $0x8000004E  }
0xb3: {  	_ =	swait.ge [sflag:s29], $0x1  }
0xb4: {  	[sflag:s29] =	ssyncadd.s32 $0xFFFFFFFF  }
0xb5: {  	_ =	strace $0x9000004E  }
0xb6: {  	_ =	sfence  }
0xb7: {  	s30 =	sld [smem:$0x0];
	_ =	sdelay $0x2  }
0xb8: {  	s31 =	sshll.u32 s1, $0xD;
	s1 =	sshrl.u32 s1, $0x2  }
0xb9: {  	s3 =	sand.u32 $0x4000, s31;
	s1 =	sadd.s32 s1, s30  }
0xba: {  	s0 =	sor.u32 s3, s0;
	s1 =	sshll.u32 s1, $0x11  }
0xbb: {  	s0 =	sor.u32 s1, s0  }
0xbc: {  	s0 =	sadd.s32 $0x8F2B, s0  }
0xbd: {  	[sflag:s0] =	ssyncadd.remote.s32 $0x1  }
0xbe: {  	_ =	sfence.sel $0xFFFF  }
0xbf: {  	[dreg:$0x0] =	wrdreg $0xFFFFFFFF;
	(pc) =	sbr.abs _section_cstart, $3  }
0xc0: {  	[dreg:$0x1] =	wrdreg $0xFFFFFFFF  }
0xc1: {  	_ =	task.clear_ibuf [dreg:s6], $0x2FFFF;
	_ =	strace $0x9FFFFFFF  }
0xc2: {  	(tm) =	ssettm $0x7FFFFFFF  }
0xc3: {  	_ =	shalt  }
tec
execute0_lowered:
.L_overlay_start_1:
0x0: {  	(tag) =	ssettag $0x1  }
0x1: {  	s7 =	rddreg [dreg:$0x0]  }
0x2: {  	s1 =	rddreg [dreg:$0x1];
	s3 =	srdreg.scid  }
0x3: {  	s0 =	rddreg [dreg:$0x2];
	s2 =	simm.s32 $0x0;
	s8 =	sand.u32 $0x1, s3  }
0x4: {  	s13 =	simm.s32 $0x80;
	s3 =	stileid.u32;
	s9 =	smul.u32 $0x27800, s8  }
0x5: {  	s14 =	simm.s32 $0x100;
	s18 =	simm.s32 $0x0;
	s10 =	smul.u32 $0x4F000, s3  }
0x6: {  	[smem:$0x7FF] =	sst s2;
	s4 =	sadd.s32 $0x3400, s7;
	s29 =	smul.u32 $0x5000, s8  }
0x7: {  	s5 =	sadd.s32 $0x67C00, s7;
	s6 =	sadd.s32 $0x5DC00, s7;
	s12 =	smul.u32 $0x500, s3  }
0x8: {  	_ =	strace $0x8000004D;
	s11 =	ssub.s32 $0x2, s8;
	s16 =	smul.u32 $0x2780, s3  }
0x9: {  	s31 =	sshll.u32 s3, $0x6;
	s30 =	sshrl.u32 s11, $0x1;
	s9 =	sadd.s32 s9, s7  }
0xa: {  	s28 =	sshrl.u32 s10, $0x2;
	s11 =	ssub.s32 s11, s30;
	s10 =	sadd.s32 s12, s29  }
0xb: {  	s12 =	simm.s32 $0x1;
	s7 =	sadd.s32 s28, s1;
	s15 =	sadd.s32 $0x71C00, s9  }
0xc: {  	s9 =	smax.u32 s11, $0x1;
	s11 =	simm.s32 $0x4100;
	s8 =	sadd.s32 $0x13800, s7  }
0xd: {  	v0 =	vimm.f32 $0.0e+00;
	s15 =	sadd.s32 s16, s15;
	s16 =	sor.u32 $0x1C01, s31;
	s17 =	sshrl.u32 s7, $0x3  }
.LBB2_1:
0xe: {  	s19 =	simm.s32 $0x0;
	s20 =	simm.s32 $0x200  }
.LBB2_2:
0xf: {  	p0 =	sne.s32 s20, $0x1E00;
	[tilespmem:s19+$0x4170] =	vst v0  }
0x10: {  	[tilespmem:s19+$0x4100] =	vst v0  }
0x11: {  	[tilespmem:s19+$0x4110] =	vst v0  }
.Ltmp0:
0x12: {  	[tilespmem:s19+$0x4120] =	vst v0;
	(pc) =	sbr.rel @p0 .LBB2_2-.Ltmp0, $4  }
0x13: {  	[tilespmem:s19+$0x4130] =	vst v0  }
0x14: {  	[tilespmem:s19+$0x4140] =	vst v0  }
0x15: {  	[tilespmem:s19+$0x4150] =	vst v0  }
0x16: {  	[tilespmem:s19+$0x4160] =	vst v0;
	s19 =	sshra.s32 s20, $0x2;
	s20 =	sadd.s32 $0x200, s20  }
0x17: {  	[tilespmem:s19+$0x4170] =	vst v0  }
0x18: {  	[tilespmem:s19+$0x4100] =	vst v0  }
0x19: {  	[tilespmem:s19+$0x4110] =	vst v0  }
0x1a: {  	[tilespmem:s19+$0x4120] =	vst v0  }
0x1b: {  	[tilespmem:s19+$0x4130] =	vst v0  }
0x1c: {  	[tilespmem:s19+$0x4140] =	vst v0  }
0x1d: {  	[tilespmem:s19+$0x4150] =	vst v0  }
0x1e: {  	[tilespmem:s19+$0x4160] =	vst v0;
	s31 =	sadd.s32 $0x0, s7  }
0x1f: {  	[spmem:s31] =	stream.linear.scatter [tilespmem:s11], [sflag:$0x1], $0x800, $0x38;
	[tilespmem:$0x18500] =	vst v63  }
0x20: {  	s19 =	simm.s32 $0x2000;
	_ =	swait.ge [sflag:s12], $0x800  }
.LBB2_4:
0x21: {  	s20 =	sshra.s32 s19, $0x2;
	[sflag:s12] =	ssyncset.done $0x0;
	p0 =	sne.s32 s19, $0x4C000  }
.Ltmp1:
0x22: {  	s20 =	sadd.s32 s20, s7;
	[sflag:s12] =	ssyncadd.s32 $0xFFFFF800;
	(pc) =	sbr.rel @p0 .LBB2_4-.Ltmp1, $3  }
0x23: {  	[spmem:s20] =	stream.linear.scatter [tilespmem:s11], [sflag:$0x1], $0x800, $0x38;
	[tilespmem:$0x18500] =	vst v63  }
0x24: {  	s19 =	sadd.s32 $0x2000, s19;
	_ =	sdelay $0x1  }
0x25: {  	_ =	swait.ge [sflag:s12], $0x800  }
0x26: {  	[sflag:s12] =	ssyncset.done $0x0  }
0x27: {  	[sflag:s12] =	ssyncadd.s32 $0xFFFFF800  }
0x28: {  	[spmem:s8] =	stream.linear.scatter [tilespmem:s11], [sflag:$0x1], $0x400, $0x38;
	[tilespmem:$0x18500] =	vst v63  }
0x29: {  	s19 =	simm.s32 $0x0;
	s20 =	sadd.s32 $0x0, s10;
	_ =	swait.ge [sflag:s12], $0x400  }
0x2a: {  	s20 =	sand.u32 $0xFFFFF80, s20;
	s19 =	sand.u32 $0x70, s19;
	[sflag:s12] =	ssyncset.done $0x0  }
0x2b: {  	s19 =	sor.u32 s19, s20;
	[sflag:s12] =	ssyncadd.s32 $0xFFFFFC00  }
0x2c: {  	s20 =	sadd.s32 s5, s19;
	[bflag:$0x0] =	sbarrier.arrive $0xFFFF  }
0x2d: {  	[tilespmem:s2], [sflag:$0x1] =	stream.linear.gather [hbm4b:s20+s2], $0x80, $0x38;
	[tilespmem:$0x18500] =	vst v63  }
0x2e: {  	_ =	swait.ge [sflag:s12], $0x80  }
0x2f: {  	[sflag:s12] =	ssyncset.done $0x0  }
0x30: {  	s19 =	sadd.s32 s6, s19;
	[sflag:s12] =	ssyncadd.s32 $0xFFFFFF80  }
0x31: {  	[tilespmem:s13], [sflag:$0x1] =	stream.linear.gather [hbm4b:s19+s2], $0x80, $0x38;
	[tilespmem:$0x18500] =	vst v63  }
0x32: {  	_ =	swait.ge [sflag:s12], $0x80  }
0x33: {  	[sflag:s12] =	ssyncset.done $0x0  }
0x34: {  	[sflag:s12] =	ssyncadd.s32 $0xFFFFFF80  }
0x35: {  	[tilespmem:s14], [sflag:$0x1] =	stream.indirect.gather [hbm4b:s4+s13], $0x80, s2, s13, $0xb8;
	[tilespmem:$0x18500] =	vst v63  }
0x36: {  	_ =	swait.ge [sflag:s12], $0x4000  }
0x37: {  	[sflag:s12] =	ssyncset.done $0x0  }
0x38: {  	s30 =	simm.s32 $0x10;
	s31 =	sadd.s32 $0x10, s10;
	[sflag:s12] =	ssyncadd.s32 $0xFFFFC000  }
0x39: {  	[spmem:s1] =	stream.indirect.scatter.add.f32 [tilespmem:s14], [sflag:$0x1], $0x80, s13, s13, $0xb8;
	[tilespmem:$0x18500] =	vst v63  }
0x3a: {  	s21 =	sand.u32 $0xFFFFF80, s31;
	s19 =	sand.u32 $0x70, s30;
	_ =	swait.ge [sflag:s12], $0x4000  }
0x3b: {  	s20 =	simm.s32 $0x20;
	s19 =	sor.u32 s19, s21;
	[sflag:s12] =	ssyncset.done $0x0  }
.LBB2_6:
0x3c: {  	s21 =	sadd.s32 s5, s19  }
0x3d: {  	[sflag:s12] =	ssyncadd.s32 $0xFFFFC000;
	s22 =	smov.u32 s20;
	s23 =	sadd.s32 $0x10, s20  }
0x3e: {  	[tilespmem:s2], [sflag:$0x1] =	stream.linear.gather [hbm4b:s21+s2], $0x80, $0x38;
	[tilespmem:$0x18500] =	vst v63  }
0x3f: {  	p0 =	sne.s32 s20, $0x4F0;
	_ =	swait.ge [sflag:s12], $0x80  }
0x40: {  	[sflag:s12] =	ssyncset.done $0x0  }
0x41: {  	s19 =	sadd.s32 s6, s19;
	[sflag:s12] =	ssyncadd.s32 $0xFFFFFF80  }
0x42: {  	[tilespmem:s13], [sflag:$0x1] =	stream.linear.gather [hbm4b:s19+s2], $0x80, $0x38;
	[tilespmem:$0x18500] =	vst v63  }
0x43: {  	_ =	swait.ge [sflag:s12], $0x80  }
0x44: {  	[sflag:s12] =	ssyncset.done $0x0  }
0x45: {  	[sflag:s12] =	ssyncadd.s32 $0xFFFFFF80  }
0x46: {  	[tilespmem:s14], [sflag:$0x1] =	stream.indirect.gather [hbm4b:s4+s13], $0x80, s2, s13, $0xb8;
	[tilespmem:$0x18500] =	vst v63  }
0x47: {  	_ =	swait.ge [sflag:s12], $0x4000  }
.Ltmp2:
0x48: {  	[sflag:s12] =	ssyncset.done $0x0;
	(pc) =	sbr.rel @p0 .LBB2_6-.Ltmp2, $4  }
0x49: {  	s19 =	sadd.s32 s22, s10;
	[sflag:s12] =	ssyncadd.s32 $0xFFFFC000  }
0x4a: {  	[spmem:s1] =	stream.indirect.scatter.add.f32 [tilespmem:s14], [sflag:$0x1], $0x80, s13, s13, $0xb8;
	[tilespmem:$0x18500] =	vst v63  }
0x4b: {  	s20 =	sand.u32 $0x70, s22;
	s19 =	sand.u32 $0xFFFFF80, s19;
	_ =	swait.ge [sflag:s12], $0x4000  }
0x4c: {  	s19 =	sor.u32 s20, s19;
	s20 =	smov.u32 s23;
	[sflag:s12] =	ssyncset.done $0x0  }
0x4d: {  	s20 =	sadd.s32 s5, s19;
	[sflag:s12] =	ssyncadd.s32 $0xFFFFC000  }
0x4e: {  	[tilespmem:s2], [sflag:$0x1] =	stream.linear.gather [hbm4b:s20+s2], $0x80, $0x38;
	[tilespmem:$0x18500] =	vst v63  }
0x4f: {  	_ =	swait.ge [sflag:s12], $0x80  }
0x50: {  	[sflag:s12] =	ssyncset.done $0x0  }
0x51: {  	s31 =	sadd.s32 s6, s19;
	[sflag:s12] =	ssyncadd.s32 $0xFFFFFF80  }
0x52: {  	[tilespmem:s13], [sflag:$0x1] =	stream.linear.gather [hbm4b:s31+s2], $0x80, $0x38;
	[tilespmem:$0x18500] =	vst v63  }
0x53: {  	_ =	swait.ge [sflag:s12], $0x80  }
0x54: {  	[sflag:s12] =	ssyncset.done $0x0  }
0x55: {  	[sflag:s12] =	ssyncadd.s32 $0xFFFFFF80  }
0x56: {  	[tilespmem:s14], [sflag:$0x1] =	stream.indirect.gather [hbm4b:s4+s13], $0x80, s2, s13, $0xb8;
	[tilespmem:$0x18500] =	vst v63  }
0x57: {  	_ =	swait.ge [sflag:s12], $0x4000  }
0x58: {  	[sflag:s12] =	ssyncset.done $0x0  }
0x59: {  	[sflag:s12] =	ssyncadd.s32 $0xFFFFC000  }
0x5a: {  	[spmem:s1] =	stream.indirect.scatter.add.f32 [tilespmem:s14], [sflag:$0x1], $0x80, s13, s13, $0xb8;
	[tilespmem:$0x18500] =	vst v63  }
0x5b: {  	_ =	swait.ge [sflag:s12], $0x4000  }
0x5c: {  	s18 =	sadd.s32 $0x1, s18;
	[sflag:s12] =	ssyncset.done $0x0  }
0x5d: {  	p0 =	sne.s32 s18, s9;
	[sflag:s12] =	ssyncadd.s32 $0xFFFFC000  }
.Ltmp3:
0x5e: {  	[bflag:$0x0] =	sbarrier.arrive $0xFFFF;
	(pc) =	sbr.rel @p0 .LBB2_1-.Ltmp3, $4  }
0x5f: {  	[hbm:s15], [sflag:s16] =	dma.local [spmem:s17], $0x2780  }
0x60: {  	_ =	swait.ge [sflag:s12], $0x2780  }
0x61: {  	[sflag:s12] =	ssyncset.done $0x0  }
0x62: {  	[sflag:s12] =	ssyncadd.s32 $0xFFFFD880  }
0x63: {  	_ =	sfence.sel $0x180000  }
0x64: {  	[bflag:$0x0] =	sbarrier.arrive $0xFFFF  }
0x65: {  	p0 =	sne.s32 s3, $0x0;
	_ =	strace $0x9000004D  }
0x66: {  	s0 =	sadd.s32 @!p0 $0x100000, s0;
	[bflag:$0x2] =	sbarrier.arrive $0xFFFF  }
0x67: {  	[sflag:s0] =	ssyncadd.tile.s32 @!p0 $0x1;
	_ =	shalt  }
.Lfunc_end2:
_tile_overlayer_lowered:
.L_overlay_start_2:
0x68: {  	(tag) =	ssettag $0x2  }
0x69: {  	s0 =	rddreg [dreg:$0x0];
	s2 =	stileid.u32  }
0x6a: {  	s1 =	rddreg [dreg:$0x1];
	p0 =	sne.s32 s2, $0x0  }
0x6b: {  	s3 =	rddreg [dreg:$0x2];
	[bflag:$0x3] =	sbarrier.arrive $0xFFFF;
	s2 =	simm.s32 @!p0 $0x1C01  }
0x6c: {  	[timem:s3], [sflag:s2] =	dma.local @!p0 [hbm:s0], s1  }
0x6d: {  	s0 =	simm.s32 @!p0 $0x1  }
0x6e: {  	_ =	swait.ge @!p0 [sflag:s0], s1  }
0x6f: {  	s1 =	ssub.s32 @!p0 $0x0, s1;
	[sflag:s0] =	ssyncset.done @!p0 $0x0  }
0x70: {  	[sflag:s0] =	ssyncadd.s32 @!p0 s1  }
0x71: {  	[bflag:$0x3] =	sbarrier.arrive $0xFFFF  }
0x72: {  	_ =	shalt  }

// kernel: kernel.8.cloned.1.call-start
scs
__scs_entry_jumppad:
0x0: {  	(pc) =	sbr.rel $0x88, $3  }
0x1: {  	(tag) =	ssettag $0x0;
	lr =	simm.s32 $0x1  }
0x2: {  	[smem:$0x3F94] =	sst lr;
	_ =	strace $0xD0000000  }
0x3: {  	_ = 	snop  }
0x4: {  	_ = 	snop  }
0x5: {  	_ = 	snop  }
0x6: {  	_ = 	snop  }
0x7: {  	_ = 	snop  }
__scs_overlays_trampoline_lowered:
0x8: {  	[smem:$0x3FA3] =	sst s0  }
0x9: {  	[smem:$0x3FA4] =	sst s1  }
0xa: {  	[smem:$0x3FA5] =	sst s2  }
0xb: {  	[smem:$0x3FA6] =	sst s3  }
0xc: {  	[smem:$0x3FA7] =	sst s4  }
0xd: {  	[smem:$0x3FA8] =	sst s5  }
0xe: {  	[smem:$0x3FA9] =	sst s6  }
0xf: {  	[smem:$0x3FAA] =	sst s7  }
0x10: {  	[smem:$0x3FAB] =	sst s8  }
0x11: {  	[smem:$0x3FAC] =	sst s9;
	s0 =	simm.s32 @!p0 $0x0  }
0x12: {  	s1 =	sld [smem:$0x3F92];
	s0 =	simm.s32 @p0 $0x1  }
0x13: {  	[smem:$0x3FAD] =	sst s0;
	s0 =	simm.s32 @!p1 $0x0  }
0x14: {  	s2 =	sld [smem:$0x3F91];
	s0 =	simm.s32 @p1 $0x1  }
0x15: {  	[smem:$0x3FAE] =	sst s0;
	s0 =	simm.s32 @!p2 $0x0  }
0x16: {  	s3 =	sld [smem:$0x3FDB];
	s0 =	simm.s32 @p2 $0x1  }
0x17: {  	s4 =	simm.s32 $0x1BF5;
	[smem:$0x3FB0] =	sst s0  }
0x18: {  	s0 =	sld [smem:$0x3F93];
	_ =	swait.ge [sflag:s4], $0x0  }
0x19: {  	s7 =	sld [smem:$0x3F94]  }
0x1a: {  	s8 =	sadd.s32 $0xFFFFE003, lr  }
0x1b: {  	s9 =	sadd.s32 $0xFFFFFEF7, lr;
	s5 =	simm.s32 $0xFFFFFFFF;
	p2 =	slt.u32 s8, $0xFFFFF086  }
0x1c: {  	p1 =	slt.u32 s9, $0xF7A;
	s5 =	simm.s32 @!p2 $0x0  }
0x1d: {  	s5 =	simm.s32 @p1 $0x1;
	p0 =	seq.s32 s7, s2  }
0x1e: {  	s7 =	smul.u32 @!p0 $0xF7A, s2;
	p2 =	seq.s32 @!p0 s5, $0x0  }
0x1f: {  	s9 =	smul.u32 $0xF7A, s1;
	s8 =	simm.s32 @!p0 $0x1BF5;
	p2 =	por !p2, p0  }
0x20: {  	[sflag:s8] =	ssyncset.s32 @!p0 $0xFFFFF086;
	s6 =	sadd.s32 @!p0 s3, s7;
	s7 =	simm.s32 @!p0 $0x108  }
0x21: {  	s3 =	sadd.s32 s3, s9;
	s6 =	sadd.s32 @!p0 $0x88, s6;
	s7 =	simm.s32 @p2 $0x1082  }
0x22: {  	[simem:s7], [sflag:s8] =	dma.local @!p0 [hbm:s6], $0xF7A  }
0x23: {  	s9 =	sor.u32 $0xD0000000, s2;
	s6 =	simm.s32 $0x108;
	_ =	swait.ge @!p0 [sflag:s8], $0x0  }
0x24: {  	s3 =	sadd.s32 $0x88, s3;
	s6 =	simm.s32 @!p1 $0x1082;
	[sflag:s4] =	ssyncset.s32 $0xFFFFF086  }
0x25: {  	[simem:s6], [sflag:s4] =	dma.local [hbm:s3], $0xF7A  }
0x26: {  	[smem:$0x3F94] =	sst s1;
	(tag) =	ssettag s2;
	_ =	strace s9  }
0x27: {  	s1 =	sld [smem:$0x3FA4]  }
0x28: {  	s2 =	sld [smem:$0x3FA5]  }
0x29: {  	s4 =	sld [smem:$0x3FA7]  }
0x2a: {  	p0 =	seq.s32 s5, $0x0;
	s5 =	sld [smem:$0x3FA8]  }
0x2b: {  	s6 =	sld [smem:$0x3FA9]  }
0x2c: {  	s7 =	sld [smem:$0x3FAA]  }
0x2d: {  	s3 =	simm.s32 $0x108;
	s8 =	sld [smem:$0x3FAB]  }
0x2e: {  	s3 =	simm.s32 @!p0 $0x1082;
	s9 =	sld [smem:$0x3FAC]  }
0x2f: {  	lr =	sadd.s32 s0, s3;
	s0 =	sld [smem:$0x3FA3]  }
0x30: {  	s3 =	sld [smem:$0x3FA6]  }
0x31: {  	[smem:$0x3FAF] =	sst s10  }
0x32: {  	s10 =	sld [smem:$0x3FAD];
	_ =	sdelay $0x3  }
0x33: {  	p0 =	seq.s32 s10, $0x1;
	s10 =	sld [smem:$0x3FAF];
	_ =	sdelay $0x3  }
0x34: {  	[smem:$0x3FAF] =	sst s10  }
0x35: {  	s10 =	sld [smem:$0x3FAE];
	_ =	sdelay $0x3  }
0x36: {  	p1 =	seq.s32 s10, $0x1;
	s10 =	sld [smem:$0x3FAF];
	_ =	sdelay $0x3  }
0x37: {  	[smem:$0x3FAF] =	sst s10  }
0x38: {  	s10 =	sld [smem:$0x3FB0]  }
0x39: {  	_ = 	snop;
	(pc) =	sbr.ind lr, $3  }
0x3a: {  	_ = 	snop  }
0x3b: {  	_ = 	snop  }
0x3c: {  	p2 =	seq.s32 s10, $0x1;
	s10 =	sld [smem:$0x3FAF]  }
0x3d: {  	_ =	shalt  }
0x3e: {  	_ =	shalt  }
0x3f: {  	_ =	shalt  }
0x40: {  	_ =	shalt  }
0x41: {  	_ =	shalt  }
0x42: {  	_ =	shalt  }
0x43: {  	_ =	shalt  }
0x44: {  	_ =	shalt  }
0x45: {  	_ =	shalt  }
0x46: {  	_ =	shalt  }
0x47: {  	_ =	shalt  }
0x48: {  	_ =	shalt  }
0x49: {  	_ =	shalt  }
0x4a: {  	_ =	shalt  }
0x4b: {  	_ =	shalt  }
0x4c: {  	_ =	shalt  }
0x4d: {  	_ =	shalt  }
0x4e: {  	_ =	shalt  }
0x4f: {  	_ =	shalt  }
0x50: {  	_ =	shalt  }
0x51: {  	_ =	shalt  }
0x52: {  	_ =	shalt  }
0x53: {  	_ =	shalt  }
0x54: {  	_ =	shalt  }
0x55: {  	_ =	shalt  }
0x56: {  	_ =	shalt  }
0x57: {  	_ =	shalt  }
0x58: {  	_ =	shalt  }
0x59: {  	_ =	shalt  }
0x5a: {  	_ =	shalt  }
0x5b: {  	_ =	shalt  }
0x5c: {  	_ =	shalt  }
0x5d: {  	_ =	shalt  }
0x5e: {  	_ =	shalt  }
0x5f: {  	_ =	shalt  }
0x60: {  	_ =	shalt  }
0x61: {  	_ =	shalt  }
0x62: {  	_ =	shalt  }
0x63: {  	_ =	shalt  }
0x64: {  	_ =	shalt  }
0x65: {  	_ =	shalt  }
0x66: {  	_ =	shalt  }
0x67: {  	_ =	shalt  }
0x68: {  	_ =	shalt  }
0x69: {  	_ =	shalt  }
0x6a: {  	_ =	shalt  }
0x6b: {  	_ =	shalt  }
0x6c: {  	_ =	shalt  }
0x6d: {  	_ =	shalt  }
0x6e: {  	_ =	shalt  }
0x6f: {  	_ =	shalt  }
0x70: {  	_ =	shalt  }
0x71: {  	_ =	shalt  }
0x72: {  	_ =	shalt  }
0x73: {  	_ =	shalt  }
0x74: {  	_ =	shalt  }
0x75: {  	_ =	shalt  }
0x76: {  	_ =	shalt  }
0x77: {  	_ =	shalt  }
0x78: {  	_ =	shalt  }
0x79: {  	_ =	shalt  }
0x7a: {  	_ =	shalt  }
0x7b: {  	_ =	shalt  }
0x7c: {  	_ =	shalt  }
0x7d: {  	_ =	shalt  }
0x7e: {  	_ =	shalt  }
0x7f: {  	_ =	shalt  }
0x80: {  	_ =	shalt  }
0x81: {  	_ =	shalt  }
0x82: {  	_ =	shalt  }
0x83: {  	_ =	shalt  }
0x84: {  	_ =	shalt  }
0x85: {  	_ =	shalt  }
0x86: {  	_ =	shalt  }
0x87: {  	_ =	shalt  }
.Lfunc_end0:
.L_simem_size_0:
called_computation_lowered:
.L_overlay_start_0:
0x88: {  	s2 =	sld [smem:$0x3FD9]  }
0x89: {  	s3 =	sld [smem:$0x3FFE];
	_ =	sdelay $0x1  }
0x8a: {  	s1 =	srdreg.scid  }
0x8b: {  	s0 =	sand.u32 $0x1, s1  }
0x8c: {  	s16 =	sshll.u32 s0, $0xA;
	s2 =	sadd.s32 s3, s2  }
0x8d: {  	s2 =	sadd.s32 s2, s16  }
0x8e: {  	[smem:$0x3FBB] =	sst s2  }
0x8f: {  	_ = 	snop  }
0x90: {  	(tm) =	ssettm $0x1  }
0x91: {  	s17 =	sld [smem:$0x3FFB];
	_ =	sdelay $0x3  }
0x92: {  	_ =	strace s17  }
0x93: {  	s2 =	sld [smem:$0x3FFC];
	_ =	sdelay $0x3  }
0x94: {  	_ =	strace s2  }
0x95: {  	s2 =	sld [smem:$0x3FFD];
	_ =	sdelay $0x3  }
0x96: {  	_ =	strace s2  }
0x97: {  	_ =	strace $0x8FFFFFFF  }
0x98: {  	s18 =	sld [smem:$0x3FDB];
	_ =	sdelay $0x1  }
0x99: {  	s19 =	simm.s32 $_scs_section_size  }
0x9a: {  	s4 =	simm.s32 $_size__tile_overlayer_lowered;
	s5 =	simm.s32 $_tile_overlayer_lowered  }
0x9b: {  	s22 =	simm.s32 $0x1BFF;
	s21 =	sshll.u32 s5, $0x1;
	s2 =	sadd.s32 s19, s18  }
0x9c: {  	s6 =	simm.s32 $0x0;
	s20 =	sshll.u32 s4, $0x1;
	s4 =	sadd.s32 s21, s2  }
0x9d: {  	[timem:s6], [sflag:s22] =	dma.local [hbm:s4], s20  }
0x9e: {  	_ =	swait.ge [sflag:s22], s20  }
0x9f: {  	s3 =	ssub.s32 $0x0, s20;
	[sflag:s22] =	ssyncset.done $0x0  }
0xa0: {  	[sflag:s22] =	ssyncadd.s32 s3;
	_ =	sdelay $0x1  }
0xa1: {  	s23 =	simm.s32 $0x1B8B  }
0xa2: {  	_ =	swait.ge [sflag:s23], $0x1  }
0xa3: {  	[sflag:s23] =	ssyncset.done $0x0  }
0xa4: {  	s25 =	simm.s32 $0x1B8E;
	s24 =	sld [smem:$0x3FFE];
	[sflag:s23] =	ssyncadd.s32 $0xFFFFFFFF  }
0xa5: {  	s26 =	simm.s32 $execute0_lowered;
	[smem:$0x3FD2] =	sst s25  }
0xa6: {  	s4 =	sshll.u32 s26, $0x1;
	_ =	strace $0x80000046;
	[dreg:$0x1] =	wrdreg $0xFFFFFFFF  }
0xa7: {  	s28 =	simm.s32 $_size_execute0_lowered;
	s2 =	sadd.s32 s2, s4;
	[dreg:$0x0] =	wrdreg $0x0  }
0xa8: {  	s4 =	sshll.u32 s28, $0x1;
	[dreg:$0x2] =	wrdreg s2  }
0xa9: {  	[dreg:$0x3] =	wrdreg s4  }
0xaa: {  	[dreg:$0x4] =	wrdreg $0xC0  }
0xab: {  	_ =	task [dreg:s6], $0x5FFFF  }
0xac: {  	[dreg:$0x1] =	wrdreg $0xFFFFFFFF  }
0xad: {  	[dreg:$0x0] =	wrdreg $0x60  }
0xae: {  	[dreg:$0x2] =	wrdreg s24  }
0xaf: {  	[dreg:$0x3] =	wrdreg $0x74000  }
0xb0: {  	[dreg:$0x4] =	wrdreg $0x9  }
0xb1: {  	_ =	task.clear_ibuf [dreg:s6], $0x5FFFF;
	_ =	strace $0x90000046  }
0xb2: {  	s29 =	simm.s32 $0x9;
	_ =	strace $0x80000048  }
0xb3: {  	_ =	swait.ge [sflag:s29], $0x1  }
0xb4: {  	[sflag:s29] =	ssyncadd.s32 $0xFFFFFFFF  }
0xb5: {  	_ =	strace $0x90000048  }
0xb6: {  	_ =	sfence  }
0xb7: {  	s30 =	sld [smem:$0x0];
	_ =	sdelay $0x2  }
0xb8: {  	s31 =	sshll.u32 s1, $0xD;
	s1 =	sshrl.u32 s1, $0x2  }
0xb9: {  	s3 =	sand.u32 $0x4000, s31;
	s1 =	sadd.s32 s1, s30  }
0xba: {  	s0 =	sor.u32 s3, s0;
	s1 =	sshll.u32 s1, $0x11  }
0xbb: {  	s0 =	sor.u32 s1, s0  }
0xbc: {  	s0 =	sadd.s32 $0x8F2B, s0  }
0xbd: {  	[sflag:s0] =	ssyncadd.remote.s32 $0x1  }
0xbe: {  	_ =	sfence.sel $0xFFFF  }
0xbf: {  	[dreg:$0x0] =	wrdreg $0xFFFFFFFF;
	(pc) =	sbr.abs _section_cstart, $3  }
0xc0: {  	[dreg:$0x1] =	wrdreg $0xFFFFFFFF  }
0xc1: {  	_ =	task.clear_ibuf [dreg:s6], $0x2FFFF;
	_ =	strace $0x9FFFFFFF  }
0xc2: {  	(tm) =	ssettm $0x7FFFFFFF  }
0xc3: {  	_ =	shalt  }
tec
execute0_lowered:
.L_overlay_start_1:
0x0: {  	(tag) =	ssettag $0x1  }
0x1: {  	s0 =	srdreg.scid;
	s5 =	rddreg [dreg:$0x0]  }
0x2: {  	s2 =	rddreg [dreg:$0x1];
	s1 =	stileid.u32  }
0x3: {  	s3 =	simm.s32 $0x0;
	s12 =	simm.s32 $0x80;
	s13 =	simm.s32 $0x100  }
0x4: {  	s14 =	simm.s32 $0x180;
	s15 =	simm.s32 $0x200;
	s16 =	simm.s32 $0x280  }
0x5: {  	s17 =	simm.s32 $0x300;
	s18 =	simm.s32 $0x380;
	s19 =	simm.s32 $0x1  }
0x6: {  	s4 =	sand.u32 $0x1, s0;
	s0 =	rddreg [dreg:$0x2];
	s7 =	smul.u32 $0x4F000, s1  }
0x7: {  	[smem:$0x7FF] =	sst s3;
	s21 =	smul.u32 $0x2780, s1;
	s6 =	sshll.u32 s4, $0x4  }
0x8: {  	_ =	strace $0x80000047;
	s31 =	smul.u32 $0x27800, s4;
	s9 =	ssub.s32 $0x2, s4  }
0x9: {  	s4 =	sadd.s32 $0xE400, s5;
	s6 =	sor.u32 s1, s6;
	s10 =	sshrl.u32 s9, $0x1  }
0xa: {  	s7 =	sshrl.u32 s7, $0x2;
	s6 =	smul.u32 $0x580, s6;
	s11 =	sadd.s32 s31, s5  }
0xb: {  	s9 =	ssub.s32 s9, s10;
	s10 =	simm.s32 $0x2;
	s20 =	sadd.s32 $0xEC00, s11  }
0xc: {  	s11 =	simm.s32 $0x2C00;
	s8 =	sadd.s32 s6, s5;
	s5 =	sadd.s32 s7, s2  }
0xd: {  	s20 =	sadd.s32 s21, s20;
	s21 =	simm.s32 $0x0;
	s6 =	sadd.s32 $0x13800, s5  }
0xe: {  	v0 =	vimm.f32 $0.0e+00;
	s7 =	sadd.s32 $0x3400, s8;
	s8 =	smax.u32 s9, $0x1;
	s9 =	simm.s32 $0x6C00  }
.LBB2_1:
0xf: {  	s22 =	simm.s32 $0x0;
	s23 =	simm.s32 $0x200  }
.LBB2_2:
0x10: {  	p0 =	sne.s32 s23, $0x1E00;
	[tilespmem:s22+$0x6C70] =	vst v0  }
0x11: {  	[tilespmem:s22+$0x6C00] =	vst v0  }
0x12: {  	[tilespmem:s22+$0x6C10] =	vst v0  }
.Ltmp0:
0x13: {  	[tilespmem:s22+$0x6C20] =	vst v0;
	(pc) =	sbr.rel @p0 .LBB2_2-.Ltmp0, $4  }
0x14: {  	[tilespmem:s22+$0x6C30] =	vst v0  }
0x15: {  	[tilespmem:s22+$0x6C40] =	vst v0  }
0x16: {  	[tilespmem:s22+$0x6C50] =	vst v0  }
0x17: {  	[tilespmem:s22+$0x6C60] =	vst v0;
	s22 =	sshra.s32 s23, $0x2;
	s23 =	sadd.s32 $0x200, s23  }
0x18: {  	[tilespmem:s22+$0x6C70] =	vst v0  }
0x19: {  	[tilespmem:s22+$0x6C00] =	vst v0  }
0x1a: {  	[tilespmem:s22+$0x6C10] =	vst v0  }
0x1b: {  	[tilespmem:s22+$0x6C20] =	vst v0  }
0x1c: {  	[tilespmem:s22+$0x6C30] =	vst v0  }
0x1d: {  	[tilespmem:s22+$0x6C40] =	vst v0  }
0x1e: {  	[tilespmem:s22+$0x6C50] =	vst v0  }
0x1f: {  	[tilespmem:s22+$0x6C60] =	vst v0;
	s31 =	sadd.s32 $0x0, s5  }
0x20: {  	[spmem:s31] =	stream.linear.scatter [tilespmem:s9], [sflag:$0x2], $0x800, $0x38;
	[tilespmem:$0x1B000] =	vst v63  }
0x21: {  	s22 =	simm.s32 $0x2000;
	_ =	swait.ge [sflag:s10], $0x800  }
.LBB2_4:
0x22: {  	s23 =	sshra.s32 s22, $0x2;
	[sflag:s10] =	ssyncset.done $0x0;
	p0 =	sne.s32 s22, $0x4C000  }
.Ltmp1:
0x23: {  	s23 =	sadd.s32 s23, s5;
	[sflag:s10] =	ssyncadd.s32 $0xFFFFF800;
	(pc) =	sbr.rel @p0 .LBB2_4-.Ltmp1, $3  }
0x24: {  	[spmem:s23] =	stream.linear.scatter [tilespmem:s9], [sflag:$0x2], $0x800, $0x38;
	[tilespmem:$0x1B000] =	vst v63  }
0x25: {  	s22 =	sadd.s32 $0x2000, s22;
	_ =	sdelay $0x1  }
0x26: {  	_ =	swait.ge [sflag:s10], $0x800  }
0x27: {  	[sflag:s10] =	ssyncset.done $0x0  }
0x28: {  	[sflag:s10] =	ssyncadd.s32 $0xFFFFF800  }
0x29: {  	[spmem:s6] =	stream.linear.scatter [tilespmem:s9], [sflag:$0x2], $0x400, $0x38;
	[tilespmem:$0x1B000] =	vst v63  }
0x2a: {  	_ =	swait.ge [sflag:s10], $0x400  }
0x2b: {  	[sflag:s10] =	ssyncset.done $0x0  }
0x2c: {  	[sflag:s10] =	ssyncadd.s32 $0xFFFFFC00  }
0x2d: {  	[tilespmem:s3], [sflag:$0x2] =	stream.linear.gather [hbm4b:s7+s3], $0x2C00, $0x38;
	[tilespmem:$0x1B000] =	vst v63  }
0x2e: {  	_ =	swait.ge [sflag:s10], $0x2C00  }
0x2f: {  	[sflag:s10] =	ssyncset.done $0x0  }
0x30: {  	[sflag:s10] =	ssyncadd.s32 $0xFFFFD400  }
0x31: {  	[tilespmem:s11], [sflag:$0x2] =	stream.linear.gather [hbm4b:s4+s3], $0x4000, $0x38;
	[tilespmem:$0x1B000] =	vst v63  }
0x32: {  	_ =	swait.ge [sflag:s10], $0x4000  }
0x33: {  	[sflag:s10] =	ssyncset.done $0x0  }
0x34: {  	[sflag:s10] =	ssyncadd.s32 $0xFFFFC000  }
0x35: {  	[bflag:$0x0] =	sbarrier.arrive $0xFFFF  }
0x36: {  	[spmem:s2] =	stream.indirect.scatter.add.f32 [tilespmem:s11], [sflag:$0x1], $0x80, s3, s12, $0xb8;
	[tilespmem:$0x1B000] =	vst v63  }
0x37: {  	_ = 	snop  }
0x38: {  	[spmem:s2] =	stream.indirect.scatter.add.f32 [tilespmem:s11], [sflag:$0x1], $0x80, s12, s12, $0xb8;
	[tilespmem:$0x1B000] =	vst v63  }
0x39: {  	_ = 	snop  }
0x3a: {  	[spmem:s2] =	stream.indirect.scatter.add.f32 [tilespmem:s11], [sflag:$0x1], $0x80, s13, s12, $0xb8;
	[tilespmem:$0x1B000] =	vst v63  }
0x3b: {  	_ = 	snop  }
0x3c: {  	[spmem:s2] =	stream.indirect.scatter.add.f32 [tilespmem:s11], [sflag:$0x1], $0x80, s14, s12, $0xb8;
	[tilespmem:$0x1B000] =	vst v63  }
0x3d: {  	_ = 	snop  }
0x3e: {  	[spmem:s2] =	stream.indirect.scatter.add.f32 [tilespmem:s11], [sflag:$0x1], $0x80, s15, s12, $0xb8;
	[tilespmem:$0x1B000] =	vst v63  }
0x3f: {  	_ = 	snop  }
0x40: {  	[spmem:s2] =	stream.indirect.scatter.add.f32 [tilespmem:s11], [sflag:$0x1], $0x80, s16, s12, $0xb8;
	[tilespmem:$0x1B000] =	vst v63  }
0x41: {  	_ = 	snop  }
0x42: {  	[spmem:s2] =	stream.indirect.scatter.add.f32 [tilespmem:s11], [sflag:$0x1], $0x80, s17, s12, $0xb8;
	[tilespmem:$0x1B000] =	vst v63  }
0x43: {  	_ = 	snop  }
0x44: {  	[spmem:s2] =	stream.indirect.scatter.add.f32 [tilespmem:s11], [sflag:$0x1], $0x80, s18, s12, $0xb8;
	[tilespmem:$0x1B000] =	vst v63  }
0x45: {  	_ =	swait.ge [sflag:s19], $0x4000  }
0x46: {  	[sflag:s19] =	ssyncset.done $0x0  }
0x47: {  	s22 =	simm.s32 $0x1200;
	s23 =	simm.s32 $0x400;
	[sflag:s19] =	ssyncadd.s32 $0xFFFFC000  }
.LBB2_6:
0x48: {  	[spmem:s2] =	stream.indirect.scatter.add.f32 [tilespmem:s11], [sflag:$0x1], $0x80, s23, s12, $0xb8;
	[tilespmem:$0x1B000] =	vst v63  }
0x49: {  	s23 =	smov.u32 s22;
	p0 =	sne.s32 s22, $0xA000  }
.Ltmp2:
0x4a: {  	s22 =	sadd.s32 $0x200, s22;
	(pc) =	sbr.rel @p0 .LBB2_6-.Ltmp2, $4  }
0x4b: {  	_ = 	snop  }
0x4c: {  	_ =	swait.ge [sflag:s19], $0x4000  }
0x4d: {  	[sflag:s19] =	ssyncset.done $0x0  }
0x4e: {  	s23 =	sshra.s32 s23, $0x2;
	[sflag:s19] =	ssyncadd.s32 $0xFFFFC000  }
0x4f: {  	[spmem:s2] =	stream.indirect.scatter.add.f32 [tilespmem:s11], [sflag:$0x1], $0x80, s23, s12, $0xb8;
	[tilespmem:$0x1B000] =	vst v63  }
0x50: {  	_ =	swait.ge [sflag:s19], $0x4000  }
0x51: {  	[sflag:s19] =	ssyncset.done $0x0  }
0x52: {  	[sflag:s19] =	ssyncadd.s32 $0xFFFFC000  }
0x53: {  	_ =	swait.ge [sflag:s19], $0x4000  }
0x54: {  	[sflag:s19] =	ssyncset.done $0x0  }
0x55: {  	[sflag:s19] =	ssyncadd.s32 $0xFFFFC000  }
0x56: {  	_ =	swait.ge [sflag:s19], $0x4000  }
0x57: {  	[sflag:s19] =	ssyncset.done $0x0  }
0x58: {  	[sflag:s19] =	ssyncadd.s32 $0xFFFFC000  }
0x59: {  	_ =	swait.ge [sflag:s19], $0x4000  }
0x5a: {  	[sflag:s19] =	ssyncset.done $0x0  }
0x5b: {  	[sflag:s19] =	ssyncadd.s32 $0xFFFFC000  }
0x5c: {  	_ =	swait.ge [sflag:s19], $0x4000  }
0x5d: {  	[sflag:s19] =	ssyncset.done $0x0  }
0x5e: {  	[sflag:s19] =	ssyncadd.s32 $0xFFFFC000  }
0x5f: {  	_ =	swait.ge [sflag:s19], $0x4000  }
0x60: {  	[sflag:s19] =	ssyncset.done $0x0  }
0x61: {  	[sflag:s19] =	ssyncadd.s32 $0xFFFFC000  }
0x62: {  	_ =	swait.ge [sflag:s19], $0x4000  }
0x63: {  	[sflag:s19] =	ssyncset.done $0x0  }
0x64: {  	[sflag:s19] =	ssyncadd.s32 $0xFFFFC000  }
0x65: {  	_ =	swait.ge [sflag:s19], $0x4000  }
0x66: {  	s22 =	sshll.u32 s1, $0x6;
	s21 =	sadd.s32 $0x1, s21;
	[sflag:s19] =	ssyncset.done $0x0  }
0x67: {  	s31 =	sshrl.u32 s5, $0x3;
	p0 =	sne.s32 s21, s8;
	[sflag:s19] =	ssyncadd.s32 $0xFFFFC000  }
.Ltmp3:
0x68: {  	s22 =	sor.u32 $0x1C02, s22;
	[bflag:$0x0] =	sbarrier.arrive $0xFFFF;
	(pc) =	sbr.rel @p0 .LBB2_1-.Ltmp3, $4  }
0x69: {  	[hbm:s20], [sflag:s22] =	dma.local [spmem:s31], $0x2780  }
0x6a: {  	_ =	swait.ge [sflag:s10], $0x2780  }
0x6b: {  	[sflag:s10] =	ssyncset.done $0x0  }
0x6c: {  	[sflag:s10] =	ssyncadd.s32 $0xFFFFD880  }
0x6d: {  	_ =	sfence.sel $0x180000  }
0x6e: {  	[bflag:$0x0] =	sbarrier.arrive $0xFFFF  }
0x6f: {  	p0 =	sne.s32 s1, $0x0;
	_ =	strace $0x90000047  }
0x70: {  	s0 =	sadd.s32 @!p0 $0x100000, s0;
	[bflag:$0x2] =	sbarrier.arrive $0xFFFF  }
0x71: {  	[sflag:s0] =	ssyncadd.tile.s32 @!p0 $0x1;
	_ =	shalt  }
.Lfunc_end2:
_tile_overlayer_lowered:
.L_overlay_start_2:
0x72: {  	(tag) =	ssettag $0x2  }
0x73: {  	s0 =	rddreg [dreg:$0x0];
	s2 =	stileid.u32  }
0x74: {  	s1 =	rddreg [dreg:$0x1];
	p0 =	sne.s32 s2, $0x0  }
0x75: {  	s3 =	rddreg [dreg:$0x2];
	[bflag:$0x3] =	sbarrier.arrive $0xFFFF;
	s2 =	simm.s32 @!p0 $0x1C02  }
0x76: {  	[timem:s3], [sflag:s2] =	dma.local @!p0 [hbm:s0], s1  }
0x77: {  	s0 =	simm.s32 @!p0 $0x2  }
0x78: {  	_ =	swait.ge @!p0 [sflag:s0], s1  }
0x79: {  	s1 =	ssub.s32 @!p0 $0x0, s1;
	[sflag:s0] =	ssyncset.done @!p0 $0x0  }
0x7a: {  	[sflag:s0] =	ssyncadd.s32 @!p0 s1  }
0x7b: {  	[bflag:$0x3] =	sbarrier.arrive $0xFFFF  }
0x7c: {  	_ =	shalt  }

</sc_bundles>
